<compile_context>
chip_gen: v7x
topology: tpu7x:2x2x1
jax: 0.10.2.dev20260603
libtpu: 0.0.44.dev20260713+nightly
codegen_flags: <defaults>
</compile_context>

<pallas_src>
import functools

import jax
import jax.numpy as jnp
from jax import lax
from jax.experimental import pallas as pl
from jax.experimental.pallas import tpu as pltpu
from jax.experimental.pallas import tpu_sc as plsc

_V, _D = 1_000_000, 32
_B = 1_048_576
_DP = 128

_NC, _NS = 2, 16
_NW = _NC * _NS
_BPW = _B // _NW
_CHUNK = 1024
_NCHUNK = _BPW // _CHUNK
_NBUF = 2


def _body(table_hbm, idx_hbm, out_hbm, idx_all, rows0, rows1, gs0, gs1, ws0, ws1):
    wid = lax.axis_index("s") * _NC + lax.axis_index("c")
    base = wid * _BPW

    pltpu.sync_copy(idx_hbm.at[pl.ds(base, _BPW)], idx_all)

    rows = (rows0, rows1)
    gsem = (gs0, gs1)
    wsem = (ws0, ws1)
    gd = [None] * _NCHUNK
    wd = [None] * _NCHUNK
    for c in range(_NCHUNK):
        b = c % _NBUF
        if c >= _NBUF:
            wd[c - _NBUF].wait()
        gd[c] = pltpu.async_copy(
            table_hbm.at[idx_all.at[pl.ds(c * _CHUNK, _CHUNK)]], rows[b], gsem[b])
        if c >= 1:
            bp = (c - 1) % _NBUF
            gd[c - 1].wait()
            wd[c - 1] = pltpu.async_copy(
                rows[bp],
                out_hbm.at[pl.ds(base + (c - 1) * _CHUNK, _CHUNK), pl.ds(0, _D)],
                wsem[bp])
    last = _NCHUNK - 1
    gd[last].wait()
    wd[last] = pltpu.async_copy(
        rows[last % _NBUF],
        out_hbm.at[pl.ds(base + last * _CHUNK, _CHUNK), pl.ds(0, _D)],
        wsem[last % _NBUF])
    wd[last - 1].wait()
    wd[last].wait()


@functools.lru_cache(maxsize=1)
def _build():
    mesh = plsc.VectorSubcoreMesh(core_axis_name="c", subcore_axis_name="s")
    return pl.kernel(
        _body,
        mesh=mesh,
        out_type=jax.ShapeDtypeStruct((_B, _DP), jnp.float32),
        scratch_types=[
            pltpu.VMEM((_BPW,), jnp.int32),
            pltpu.VMEM((_CHUNK, _D), jnp.float32),
            pltpu.VMEM((_CHUNK, _D), jnp.float32),
            pltpu.SemaphoreType.DMA,
            pltpu.SemaphoreType.DMA,
            pltpu.SemaphoreType.DMA,
            pltpu.SemaphoreType.DMA,
        ],
        compiler_params=pltpu.CompilerParams(
            use_tc_tiling_on_sc=False, needs_layout_passes=False),
    )


def kernel(features, rev):
    out128 = _build()(features, rev.astype(jnp.int32))
    return out128[:, :_D]

# --- scband reference (transcript-rebuilt; emitter-appended) ---
"""Pipeline reference for scband-output-layer-13365938225623 (READ-ONLY COPY).

The authoritative reference and input builder live on the scoring server;
editing this copy changes nothing except your own understanding.
"""

import jax, jax.numpy as jnp
import numpy as np

def setup_inputs(seed: int = 0) -> dict:
    key = jax.random.key(seed)
    k1, k2 = jax.random.split(key)
    features = jax.random.normal(k1, (1000000, 32), dtype=jnp.float32)
    rev = jax.random.randint(k2, (1048576,), 0, 1000000, dtype=jnp.int64 if jax.config.read('jax_enable_x64') else jnp.int32)
    return {"features": features, "rev": rev}

def reference(features, rev):
    # tf.gather(features, rev) along axis 0
    return jnp.take(features, rev, axis=0)

if __name__ == "__main__":
    import jax
    _d = setup_inputs()
    print(jax.jit(kernel)(*tuple(_d.values())))

</pallas_src>

<mosaic_0001>
#map = affine_map<(d0, d1) -> (0, 0)>
#map1 = affine_map<(d0, d1) -> (0)>
module attributes {stable_mosaic.version = 14 : i64} {
  func.func @_body(%arg0: i32, %arg1: i32, %arg2: memref<1000000x32xf32, #tpu.memory_space<hbm>>, %arg3: memref<1048576xi32, #tpu.memory_space<hbm>>, %arg4: memref<1048576x128xf32, #tpu.memory_space<hbm>>, %arg5: memref<32768xi32, #tpu.memory_space<vmem>>, %arg6: memref<1024x32xf32, #tpu.memory_space<vmem>>, %arg7: memref<1024x32xf32, #tpu.memory_space<vmem>>, %arg8: memref<!tpu.dma_semaphore, #tpu.memory_space<semaphore_mem>>, %arg9: memref<!tpu.dma_semaphore, #tpu.memory_space<semaphore_mem>>, %arg10: memref<!tpu.dma_semaphore, #tpu.memory_space<semaphore_mem>>, %arg11: memref<!tpu.dma_semaphore, #tpu.memory_space<semaphore_mem>>) attributes {dimension_semantics = [#tpu.dimension_semantics<core_parallel>, #tpu.dimension_semantics<subcore_parallel>], iteration_bounds = array<i64: 2, 16>, scalar_prefetch = 0 : i64, scratch_operands = 7 : i64, tpu.core_type = #tpu.core_type<sc_vector_subcore>, window_params = [{transform_indices = #map}, {transform_indices = #map1}, {transform_indices = #map}]} {
    %mul3A = arith.constant 2 : i32
    %mul3A_0 = arith.muli %arg1, %mul3A : i32
    %add3A = arith.addi %mul3A_0, %arg0 : i32
    %mul3A_1 = arith.constant 32768 : i32
    %mul3A_2 = arith.muli %add3A, %mul3A_1 : i32
    "tpu.region"() ({
      %run_scoped3A = tpu.sem_alloc : memref<!tpu.dma_semaphore, #tpu.memory_space<semaphore_mem>>
      %dma_start3A_641 = tpu.memref_slice %arg3[%mul3A_2] : memref<1048576xi32, #tpu.memory_space<hbm>> -> memref<32768xi32, #tpu.memory_space<hbm>>
      %dma_start3A_642 = tpu.memref_slice %arg3[%mul3A_2] : memref<1048576xi32, #tpu.memory_space<hbm>> -> memref<32768xi32, #tpu.memory_space<hbm>>
      tpu.enqueue_dma source(%dma_start3A_642 : memref<32768xi32, #tpu.memory_space<hbm>>) target(%arg5 : memref<32768xi32, #tpu.memory_space<vmem>>) target_semaphore(%run_scoped3A : memref<!tpu.dma_semaphore, #tpu.memory_space<semaphore_mem>>)
      %dma_wait3A_643 = tpu.memref_slice %arg3[%mul3A_2] : memref<1048576xi32, #tpu.memory_space<hbm>> -> memref<32768xi32, #tpu.memory_space<hbm>>
      %dma_wait3A_644 = tpu.memref_slice %arg3[%mul3A_2] : memref<1048576xi32, #tpu.memory_space<hbm>> -> memref<32768xi32, #tpu.memory_space<hbm>>
      tpu.wait_dma2 semaphore(%run_scoped3A : memref<!tpu.dma_semaphore, #tpu.memory_space<semaphore_mem>>) src(%dma_wait3A_644 : memref<32768xi32, #tpu.memory_space<hbm>>) dst(%arg5 : memref<32768xi32, #tpu.memory_space<vmem>>)
      tpu.yield
    }) : () -> ()
    %dma_start3A = arith.constant 0 : i32
    %dma_start3A_3 = tpu.memref_slice %arg5[%dma_start3A] : memref<32768xi32, #tpu.memory_space<vmem>> -> memref<1024xi32, #tpu.memory_space<vmem>>
    %dma_start3A_4 = arith.constant 0 : i32
    %dma_start3A_5 = arith.constant 0 : i32
    %dma_start3A_6 = tpu.memref_slice %arg2[%dma_start3A_4, %dma_start3A_5] : memref<1000000x32xf32, #tpu.memory_space<hbm>> -> memref<1000000x32xf32, #tpu.memory_space<hbm>>
    tpu.enqueue_indirect_dma source(%dma_start3A_6 : memref<1000000x32xf32, #tpu.memory_space<hbm>>) target(%arg6 : memref<1024x32xf32, #tpu.memory_space<vmem>>) offsets(%dma_start3A_3 : memref<1024xi32, #tpu.memory_space<vmem>>) semaphore(%arg8 : memref<!tpu.dma_semaphore, #tpu.memory_space<semaphore_mem>>)
    %dma_start3A_7 = arith.constant 1024 : i32
    %dma_start3A_8 = tpu.memref_slice %arg5[%dma_start3A_7] : memref<32768xi32, #tpu.memory_space<vmem>> -> memref<1024xi32, #tpu.memory_space<vmem>>
    %dma_start3A_9 = arith.constant 0 : i32
    %dma_start3A_10 = arith.constant 0 : i32
    %dma_start3A_11 = tpu.memref_slice %arg2[%dma_start3A_9, %dma_start3A_10] : memref<1000000x32xf32, #tpu.memory_space<hbm>> -> memref<1000000x32xf32, #tpu.memory_space<hbm>>
    tpu.enqueue_indirect_dma source(%dma_start3A_11 : memref<1000000x32xf32, #tpu.memory_space<hbm>>) target(%arg7 : memref<1024x32xf32, #tpu.memory_space<vmem>>) offsets(%dma_start3A_8 : memref<1024xi32, #tpu.memory_space<vmem>>) semaphore(%arg9 : memref<!tpu.dma_semaphore, #tpu.memory_space<semaphore_mem>>)
    %dma_wait3A = arith.constant 0 : i32
    %dma_wait3A_12 = tpu.memref_slice %arg5[%dma_wait3A] : memref<32768xi32, #tpu.memory_space<vmem>> -> memref<1024xi32, #tpu.memory_space<vmem>>
    %dma_wait3A_13 = arith.constant 0 : i32
    %dma_wait3A_14 = arith.constant 0 : i32
    %dma_wait3A_15 = tpu.memref_slice %arg2[%dma_wait3A_13, %dma_wait3A_14] : memref<1000000x32xf32, #tpu.memory_space<hbm>> -> memref<1000000x32xf32, #tpu.memory_space<hbm>>
    tpu.wait_indirect_dma semaphore(%arg8 : memref<!tpu.dma_semaphore, #tpu.memory_space<semaphore_mem>>) src(%dma_wait3A_15 : memref<1000000x32xf32, #tpu.memory_space<hbm>>) dst(%arg6 : memref<1024x32xf32, #tpu.memory_space<vmem>>)
    %add3A_16 = arith.constant 0 : i32
    %add3A_17 = arith.addi %mul3A_2, %add3A_16 : i32
    %dma_start3A_18 = arith.constant 0 : i32
    %dma_start3A_19 = tpu.memref_slice %arg4[%add3A_17, %dma_start3A_18] : memref<1048576x128xf32, #tpu.memory_space<hbm>> -> memref<1024x32xf32, #tpu.memory_space<hbm>>
    %dma_start3A_20 = arith.constant 0 : i32
    %dma_start3A_21 = tpu.memref_slice %arg4[%add3A_17, %dma_start3A_20] : memref<1048576x128xf32, #tpu.memory_space<hbm>> -> memref<1024x32xf32, #tpu.memory_space<hbm>>
    tpu.enqueue_dma source(%arg6 : memref<1024x32xf32, #tpu.memory_space<vmem>>) target(%dma_start3A_21 : memref<1024x32xf32, #tpu.memory_space<hbm>>) target_semaphore(%arg10 : memref<!tpu.dma_semaphore, #tpu.memory_space<semaphore_mem>>)
    %dma_wait3A_22 = arith.constant 0 : i32
    %dma_wait3A_23 = tpu.memref_slice %arg4[%add3A_17, %dma_wait3A_22] : memref<1048576x128xf32, #tpu.memory_space<hbm>> -> memref<1024x32xf32, #tpu.memory_space<hbm>>
    %dma_wait3A_24 = arith.constant 0 : i32
    %dma_wait3A_25 = tpu.memref_slice %arg4[%add3A_17, %dma_wait3A_24] : memref<1048576x128xf32, #tpu.memory_space<hbm>> -> memref<1024x32xf32, #tpu.memory_space<hbm>>
    tpu.wait_dma2 semaphore(%arg10 : memref<!tpu.dma_semaphore, #tpu.memory_space<semaphore_mem>>) src(%arg6 : memref<1024x32xf32, #tpu.memory_space<vmem>>) dst(%dma_wait3A_25 : memref<1024x32xf32, #tpu.memory_space<hbm>>)
    %dma_start3A_26 = arith.constant 2048 : i32
    %dma_start3A_27 = tpu.memref_slice %arg5[%dma_start3A_26] : memref<32768xi32, #tpu.memory_space<vmem>> -> memref<1024xi32, #tpu.memory_space<vmem>>
    %dma_start3A_28 = arith.constant 0 : i32
    %dma_start3A_29 = arith.constant 0 : i32
    %dma_start3A_30 = tpu.memref_slice %arg2[%dma_start3A_28, %dma_start3A_29] : memref<1000000x32xf32, #tpu.memory_space<hbm>> -> memref<1000000x32xf32, #tpu.memory_space<hbm>>
    tpu.enqueue_indirect_dma source(%dma_start3A_30 : memref<1000000x32xf32, #tpu.memory_space<hbm>>) target(%arg6 : memref<1024x32xf32, #tpu.memory_space<vmem>>) offsets(%dma_start3A_27 : memref<1024xi32, #tpu.memory_space<vmem>>) semaphore(%arg8 : memref<!tpu.dma_semaphore, #tpu.memory_space<semaphore_mem>>)
    %dma_wait3A_31 = arith.constant 1024 : i32
    %dma_wait3A_32 = tpu.memref_slice %arg5[%dma_wait3A_31] : memref<32768xi32, #tpu.memory_space<vmem>> -> memref<1024xi32, #tpu.memory_space<vmem>>
    %dma_wait3A_33 = arith.constant 0 : i32
    %dma_wait3A_34 = arith.constant 0 : i32
    %dma_wait3A_35 = tpu.memref_slice %arg2[%dma_wait3A_33, %dma_wait3A_34] : memref<1000000x32xf32, #tpu.memory_space<hbm>> -> memref<1000000x32xf32, #tpu.memory_space<hbm>>
    tpu.wait_indirect_dma semaphore(%arg9 : memref<!tpu.dma_semaphore, #tpu.memory_space<semaphore_mem>>) src(%dma_wait3A_35 : memref<1000000x32xf32, #tpu.memory_space<hbm>>) dst(%arg7 : memref<1024x32xf32, #tpu.memory_space<vmem>>)
    %add3A_36 = arith.constant 1024 : i32
    %add3A_37 = arith.addi %mul3A_2, %add3A_36 : i32
    %dma_start3A_38 = arith.constant 0 : i32
    %dma_start3A_39 = tpu.memref_slice %arg4[%add3A_37, %dma_start3A_38] : memref<1048576x128xf32, #tpu.memory_space<hbm>> -> memref<1024x32xf32, #tpu.memory_space<hbm>>
    %dma_start3A_40 = arith.constant 0 : i32
    %dma_start3A_41 = tpu.memref_slice %arg4[%add3A_37, %dma_start3A_40] : memref<1048576x128xf32, #tpu.memory_space<hbm>> -> memref<1024x32xf32, #tpu.memory_space<hbm>>
    tpu.enqueue_dma source(%arg7 : memref<1024x32xf32, #tpu.memory_space<vmem>>) target(%dma_start3A_41 : memref<1024x32xf32, #tpu.memory_space<hbm>>) target_semaphore(%arg11 : memref<!tpu.dma_semaphore, #tpu.memory_space<semaphore_mem>>)
    %dma_wait3A_42 = arith.constant 0 : i32
    %dma_wait3A_43 = tpu.memref_slice %arg4[%add3A_37, %dma_wait3A_42] : memref<1048576x128xf32, #tpu.memory_space<hbm>> -> memref<1024x32xf32, #tpu.memory_space<hbm>>
    %dma_wait3A_44 = arith.constant 0 : i32
    %dma_wait3A_45 = tpu.memref_slice %arg4[%add3A_37, %dma_wait3A_44] : memref<1048576x128xf32, #tpu.memory_space<hbm>> -> memref<1024x32xf32, #tpu.memory_space<hbm>>
    tpu.wait_dma2 semaphore(%arg11 : memref<!tpu.dma_semaphore, #tpu.memory_space<semaphore_mem>>) src(%arg7 : memref<1024x32xf32, #tpu.memory_space<vmem>>) dst(%dma_wait3A_45 : memref<1024x32xf32, #tpu.memory_space<hbm>>)
    %dma_start3A_46 = arith.constant 3072 : i32
    %dma_start3A_47 = tpu.memref_slice %arg5[%dma_start3A_46] : memref<32768xi32, #tpu.memory_space<vmem>> -> memref<1024xi32, #tpu.memory_space<vmem>>
    %dma_start3A_48 = arith.constant 0 : i32
    %dma_start3A_49 = arith.constant 0 : i32
    %dma_start3A_50 = tpu.memref_slice %arg2[%dma_start3A_48, %dma_start3A_49] : memref<1000000x32xf32, #tpu.memory_space<hbm>> -> memref<1000000x32xf32, #tpu.memory_space<hbm>>
    tpu.enqueue_indirect_dma source(%dma_start3A_50 : memref<1000000x32xf32, #tpu.memory_space<hbm>>) target(%arg7 : memref<1024x32xf32, #tpu.memory_space<vmem>>) offsets(%dma_start3A_47 : memref<1024xi32, #tpu.memory_space<vmem>>) semaphore(%arg9 : memref<!tpu.dma_semaphore, #tpu.memory_space<semaphore_mem>>)
    %dma_wait3A_51 = arith.constant 2048 : i32
    %dma_wait3A_52 = tpu.memref_slice %arg5[%dma_wait3A_51] : memref<32768xi32, #tpu.memory_space<vmem>> -> memref<1024xi32, #tpu.memory_space<vmem>>
    %dma_wait3A_53 = arith.constant 0 : i32
    %dma_wait3A_54 = arith.constant 0 : i32
    %dma_wait3A_55 = tpu.memref_slice %arg2[%dma_wait3A_53, %dma_wait3A_54] : memref<1000000x32xf32, #tpu.memory_space<hbm>> -> memref<1000000x32xf32, #tpu.memory_space<hbm>>
    tpu.wait_indirect_dma semaphore(%arg8 : memref<!tpu.dma_semaphore, #tpu.memory_space<semaphore_mem>>) src(%dma_wait3A_55 : memref<1000000x32xf32, #tpu.memory_space<hbm>>) dst(%arg6 : memref<1024x32xf32, #tpu.memory_space<vmem>>)
    %add3A_56 = arith.constant 2048 : i32
    %add3A_57 = arith.addi %mul3A_2, %add3A_56 : i32
    %dma_start3A_58 = arith.constant 0 : i32
    %dma_start3A_59 = tpu.memref_slice %arg4[%add3A_57, %dma_start3A_58] : memref<1048576x128xf32, #tpu.memory_space<hbm>> -> memref<1024x32xf32, #tpu.memory_space<hbm>>
    %dma_start3A_60 = arith.constant 0 : i32
    %dma_start3A_61 = tpu.memref_slice %arg4[%add3A_57, %dma_start3A_60] : memref<1048576x128xf32, #tpu.memory_space<hbm>> -> memref<1024x32xf32, #tpu.memory_space<hbm>>
    tpu.enqueue_dma source(%arg6 : memref<1024x32xf32, #tpu.memory_space<vmem>>) target(%dma_start3A_61 : memref<1024x32xf32, #tpu.memory_space<hbm>>) target_semaphore(%arg10 : memref<!tpu.dma_semaphore, #tpu.memory_space<semaphore_mem>>)
    %dma_wait3A_62 = arith.constant 0 : i32
    %dma_wait3A_63 = tpu.memref_slice %arg4[%add3A_57, %dma_wait3A_62] : memref<1048576x128xf32, #tpu.memory_space<hbm>> -> memref<1024x32xf32, #tpu.memory_space<hbm>>
    %dma_wait3A_64 = arith.constant 0 : i32
    %dma_wait3A_65 = tpu.memref_slice %arg4[%add3A_57, %dma_wait3A_64] : memref<1048576x128xf32, #tpu.memory_space<hbm>> -> memref<1024x32xf32, #tpu.memory_space<hbm>>
    tpu.wait_dma2 semaphore(%arg10 : memref<!tpu.dma_semaphore, #tpu.memory_space<semaphore_mem>>) src(%arg6 : memref<1024x32xf32, #tpu.memory_space<vmem>>) dst(%dma_wait3A_65 : memref<1024x32xf32, #tpu.memory_space<hbm>>)
    %dma_start3A_66 = arith.constant 4096 : i32
    %dma_start3A_67 = tpu.memref_slice %arg5[%dma_start3A_66] : memref<32768xi32, #tpu.memory_space<vmem>> -> memref<1024xi32, #tpu.memory_space<vmem>>
    %dma_start3A_68 = arith.constant 0 : i32
    %dma_start3A_69 = arith.constant 0 : i32
    %dma_start3A_70 = tpu.memref_slice %arg2[%dma_start3A_68, %dma_start3A_69] : memref<1000000x32xf32, #tpu.memory_space<hbm>> -> memref<1000000x32xf32, #tpu.memory_space<hbm>>
    tpu.enqueue_indirect_dma source(%dma_start3A_70 : memref<1000000x32xf32, #tpu.memory_space<hbm>>) target(%arg6 : memref<1024x32xf32, #tpu.memory_space<vmem>>) offsets(%dma_start3A_67 : memref<1024xi32, #tpu.memory_space<vmem>>) semaphore(%arg8 : memref<!tpu.dma_semaphore, #tpu.memory_space<semaphore_mem>>)
    %dma_wait3A_71 = arith.constant 3072 : i32
    %dma_wait3A_72 = tpu.memref_slice %arg5[%dma_wait3A_71] : memref<32768xi32, #tpu.memory_space<vmem>> -> memref<1024xi32, #tpu.memory_space<vmem>>
    %dma_wait3A_73 = arith.constant 0 : i32
    %dma_wait3A_74 = arith.constant 0 : i32
    %dma_wait3A_75 = tpu.memref_slice %arg2[%dma_wait3A_73, %dma_wait3A_74] : memref<1000000x32xf32, #tpu.memory_space<hbm>> -> memref<1000000x32xf32, #tpu.memory_space<hbm>>
    tpu.wait_indirect_dma semaphore(%arg9 : memref<!tpu.dma_semaphore, #tpu.memory_space<semaphore_mem>>) src(%dma_wait3A_75 : memref<1000000x32xf32, #tpu.memory_space<hbm>>) dst(%arg7 : memref<1024x32xf32, #tpu.memory_space<vmem>>)
    %add3A_76 = arith.constant 3072 : i32
    %add3A_77 = arith.addi %mul3A_2, %add3A_76 : i32
    %dma_start3A_78 = arith.constant 0 : i32
    %dma_start3A_79 = tpu.memref_slice %arg4[%add3A_77, %dma_start3A_78] : memref<1048576x128xf32, #tpu.memory_space<hbm>> -> memref<1024x32xf32, #tpu.memory_space<hbm>>
    %dma_start3A_80 = arith.constant 0 : i32
    %dma_start3A_81 = tpu.memref_slice %arg4[%add3A_77, %dma_start3A_80] : memref<1048576x128xf32, #tpu.memory_space<hbm>> -> memref<1024x32xf32, #tpu.memory_space<hbm>>
    tpu.enqueue_dma source(%arg7 : memref<1024x32xf32, #tpu.memory_space<vmem>>) target(%dma_start3A_81 : memref<1024x32xf32, #tpu.memory_space<hbm>>) target_semaphore(%arg11 : memref<!tpu.dma_semaphore, #tpu.memory_space<semaphore_mem>>)
    %dma_wait3A_82 = arith.constant 0 : i32
    %dma_wait3A_83 = tpu.memref_slice %arg4[%add3A_77, %dma_wait3A_82] : memref<1048576x128xf32, #tpu.memory_space<hbm>> -> memref<1024x32xf32, #tpu.memory_space<hbm>>
    %dma_wait3A_84 = arith.constant 0 : i32
    %dma_wait3A_85 = tpu.memref_slice %arg4[%add3A_77, %dma_wait3A_84] : memref<1048576x128xf32, #tpu.memory_space<hbm>> -> memref<1024x32xf32, #tpu.memory_space<hbm>>
    tpu.wait_dma2 semaphore(%arg11 : memref<!tpu.dma_semaphore, #tpu.memory_space<semaphore_mem>>) src(%arg7 : memref<1024x32xf32, #tpu.memory_space<vmem>>) dst(%dma_wait3A_85 : memref<1024x32xf32, #tpu.memory_space<hbm>>)
    %dma_start3A_86 = arith.constant 5120 : i32
    %dma_start3A_87 = tpu.memref_slice %arg5[%dma_start3A_86] : memref<32768xi32, #tpu.memory_space<vmem>> -> memref<1024xi32, #tpu.memory_space<vmem>>
    %dma_start3A_88 = arith.constant 0 : i32
    %dma_start3A_89 = arith.constant 0 : i32
    %dma_start3A_90 = tpu.memref_slice %arg2[%dma_start3A_88, %dma_start3A_89] : memref<1000000x32xf32, #tpu.memory_space<hbm>> -> memref<1000000x32xf32, #tpu.memory_space<hbm>>
    tpu.enqueue_indirect_dma source(%dma_start3A_90 : memref<1000000x32xf32, #tpu.memory_space<hbm>>) target(%arg7 : memref<1024x32xf32, #tpu.memory_space<vmem>>) offsets(%dma_start3A_87 : memref<1024xi32, #tpu.memory_space<vmem>>) semaphore(%arg9 : memref<!tpu.dma_semaphore, #tpu.memory_space<semaphore_mem>>)
    %dma_wait3A_91 = arith.constant 4096 : i32
    %dma_wait3A_92 = tpu.memref_slice %arg5[%dma_wait3A_91] : memref<32768xi32, #tpu.memory_space<vmem>> -> memref<1024xi32, #tpu.memory_space<vmem>>
    %dma_wait3A_93 = arith.constant 0 : i32
    %dma_wait3A_94 = arith.constant 0 : i32
    %dma_wait3A_95 = tpu.memref_slice %arg2[%dma_wait3A_93, %dma_wait3A_94] : memref<1000000x32xf32, #tpu.memory_space<hbm>> -> memref<1000000x32xf32, #tpu.memory_space<hbm>>
    tpu.wait_indirect_dma semaphore(%arg8 : memref<!tpu.dma_semaphore, #tpu.memory_space<semaphore_mem>>) src(%dma_wait3A_95 : memref<1000000x32xf32, #tpu.memory_space<hbm>>) dst(%arg6 : memref<1024x32xf32, #tpu.memory_space<vmem>>)
    %add3A_96 = arith.constant 4096 : i32
    %add3A_97 = arith.addi %mul3A_2, %add3A_96 : i32
    %dma_start3A_98 = arith.constant 0 : i32
    %dma_start3A_99 = tpu.memref_slice %arg4[%add3A_97, %dma_start3A_98] : memref<1048576x128xf32, #tpu.memory_space<hbm>> -> memref<1024x32xf32, #tpu.memory_space<hbm>>
    %dma_start3A_100 = arith.constant 0 : i32
    %dma_start3A_101 = tpu.memref_slice %arg4[%add3A_97, %dma_start3A_100] : memref<1048576x128xf32, #tpu.memory_space<hbm>> -> memref<1024x32xf32, #tpu.memory_space<hbm>>
    tpu.enqueue_dma source(%arg6 : memref<1024x32xf32, #tpu.memory_space<vmem>>) target(%dma_start3A_101 : memref<1024x32xf32, #tpu.memory_space<hbm>>) target_semaphore(%arg10 : memref<!tpu.dma_semaphore, #tpu.memory_space<semaphore_mem>>)
    %dma_wait3A_102 = arith.constant 0 : i32
    %dma_wait3A_103 = tpu.memref_slice %arg4[%add3A_97, %dma_wait3A_102] : memref<1048576x128xf32, #tpu.memory_space<hbm>> -> memref<1024x32xf32, #tpu.memory_space<hbm>>
    %dma_wait3A_104 = arith.constant 0 : i32
    %dma_wait3A_105 = tpu.memref_slice %arg4[%add3A_97, %dma_wait3A_104] : memref<1048576x128xf32, #tpu.memory_space<hbm>> -> memref<1024x32xf32, #tpu.memory_space<hbm>>
    tpu.wait_dma2 semaphore(%arg10 : memref<!tpu.dma_semaphore, #tpu.memory_space<semaphore_mem>>) src(%arg6 : memref<1024x32xf32, #tpu.memory_space<vmem>>) dst(%dma_wait3A_105 : memref<1024x32xf32, #tpu.memory_space<hbm>>)
    %dma_start3A_106 = arith.constant 6144 : i32
    %dma_start3A_107 = tpu.memref_slice %arg5[%dma_start3A_106] : memref<32768xi32, #tpu.memory_space<vmem>> -> memref<1024xi32, #tpu.memory_space<vmem>>
    %dma_start3A_108 = arith.constant 0 : i32
    %dma_start3A_109 = arith.constant 0 : i32
    %dma_start3A_110 = tpu.memref_slice %arg2[%dma_start3A_108, %dma_start3A_109] : memref<1000000x32xf32, #tpu.memory_space<hbm>> -> memref<1000000x32xf32, #tpu.memory_space<hbm>>
    tpu.enqueue_indirect_dma source(%dma_start3A_110 : memref<1000000x32xf32, #tpu.memory_space<hbm>>) target(%arg6 : memref<1024x32xf32, #tpu.memory_space<vmem>>) offsets(%dma_start3A_107 : memref<1024xi32, #tpu.memory_space<vmem>>) semaphore(%arg8 : memref<!tpu.dma_semaphore, #tpu.memory_space<semaphore_mem>>)
    %dma_wait3A_111 = arith.constant 5120 : i32
    %dma_wait3A_112 = tpu.memref_slice %arg5[%dma_wait3A_111] : memref<32768xi32, #tpu.memory_space<vmem>> -> memref<1024xi32, #tpu.memory_space<vmem>>
    %dma_wait3A_113 = arith.constant 0 : i32
    %dma_wait3A_114 = arith.constant 0 : i32
    %dma_wait3A_115 = tpu.memref_slice %arg2[%dma_wait3A_113, %dma_wait3A_114] : memref<1000000x32xf32, #tpu.memory_space<hbm>> -> memref<1000000x32xf32, #tpu.memory_space<hbm>>
    tpu.wait_indirect_dma semaphore(%arg9 : memref<!tpu.dma_semaphore, #tpu.memory_space<semaphore_mem>>) src(%dma_wait3A_115 : memref<1000000x32xf32, #tpu.memory_space<hbm>>) dst(%arg7 : memref<1024x32xf32, #tpu.memory_space<vmem>>)
    %add3A_116 = arith.constant 5120 : i32
    %add3A_117 = arith.addi %mul3A_2, %add3A_116 : i32
    %dma_start3A_118 = arith.constant 0 : i32
    %dma_start3A_119 = tpu.memref_slice %arg4[%add3A_117, %dma_start3A_118] : memref<1048576x128xf32, #tpu.memory_space<hbm>> -> memref<1024x32xf32, #tpu.memory_space<hbm>>
    %dma_start3A_120 = arith.constant 0 : i32
    %dma_start3A_121 = tpu.memref_slice %arg4[%add3A_117, %dma_start3A_120] : memref<1048576x128xf32, #tpu.memory_space<hbm>> -> memref<1024x32xf32, #tpu.memory_space<hbm>>
    tpu.enqueue_dma source(%arg7 : memref<1024x32xf32, #tpu.memory_space<vmem>>) target(%dma_start3A_121 : memref<1024x32xf32, #tpu.memory_space<hbm>>) target_semaphore(%arg11 : memref<!tpu.dma_semaphore, #tpu.memory_space<semaphore_mem>>)
    %dma_wait3A_122 = arith.constant 0 : i32
    %dma_wait3A_123 = tpu.memref_slice %arg4[%add3A_117, %dma_wait3A_122] : memref<1048576x128xf32, #tpu.memory_space<hbm>> -> memref<1024x32xf32, #tpu.memory_space<hbm>>
    %dma_wait3A_124 = arith.constant 0 : i32
    %dma_wait3A_125 = tpu.memref_slice %arg4[%add3A_117, %dma_wait3A_124] : memref<1048576x128xf32, #tpu.memory_space<hbm>> -> memref<1024x32xf32, #tpu.memory_space<hbm>>
    tpu.wait_dma2 semaphore(%arg11 : memref<!tpu.dma_semaphore, #tpu.memory_space<semaphore_mem>>) src(%arg7 : memref<1024x32xf32, #tpu.memory_space<vmem>>) dst(%dma_wait3A_125 : memref<1024x32xf32, #tpu.memory_space<hbm>>)
    %dma_start3A_126 = arith.constant 7168 : i32
    %dma_start3A_127 = tpu.memref_slice %arg5[%dma_start3A_126] : memref<32768xi32, #tpu.memory_space<vmem>> -> memref<1024xi32, #tpu.memory_space<vmem>>
    %dma_start3A_128 = arith.constant 0 : i32
    %dma_start3A_129 = arith.constant 0 : i32
    %dma_start3A_130 = tpu.memref_slice %arg2[%dma_start3A_128, %dma_start3A_129] : memref<1000000x32xf32, #tpu.memory_space<hbm>> -> memref<1000000x32xf32, #tpu.memory_space<hbm>>
    tpu.enqueue_indirect_dma source(%dma_start3A_130 : memref<1000000x32xf32, #tpu.memory_space<hbm>>) target(%arg7 : memref<1024x32xf32, #tpu.memory_space<vmem>>) offsets(%dma_start3A_127 : memref<1024xi32, #tpu.memory_space<vmem>>) semaphore(%arg9 : memref<!tpu.dma_semaphore, #tpu.memory_space<semaphore_mem>>)
    %dma_wait3A_131 = arith.constant 6144 : i32
    %dma_wait3A_132 = tpu.memref_slice %arg5[%dma_wait3A_131] : memref<32768xi32, #tpu.memory_space<vmem>> -> memref<1024xi32, #tpu.memory_space<vmem>>
    %dma_wait3A_133 = arith.constant 0 : i32
    %dma_wait3A_134 = arith.constant 0 : i32
    %dma_wait3A_135 = tpu.memref_slice %arg2[%dma_wait3A_133, %dma_wait3A_134] : memref<1000000x32xf32, #tpu.memory_space<hbm>> -> memref<1000000x32xf32, #tpu.memory_space<hbm>>
    tpu.wait_indirect_dma semaphore(%arg8 : memref<!tpu.dma_semaphore, #tpu.memory_space<semaphore_mem>>) src(%dma_wait3A_135 : memref<1000000x32xf32, #tpu.memory_space<hbm>>) dst(%arg6 : memref<1024x32xf32, #tpu.memory_space<vmem>>)
    %add3A_136 = arith.constant 6144 : i32
    %add3A_137 = arith.addi %mul3A_2, %add3A_136 : i32
    %dma_start3A_138 = arith.constant 0 : i32
    %dma_start3A_139 = tpu.memref_slice %arg4[%add3A_137, %dma_start3A_138] : memref<1048576x128xf32, #tpu.memory_space<hbm>> -> memref<1024x32xf32, #tpu.memory_space<hbm>>
    %dma_start3A_140 = arith.constant 0 : i32
    %dma_start3A_141 = tpu.memref_slice %arg4[%add3A_137, %dma_start3A_140] : memref<1048576x128xf32, #tpu.memory_space<hbm>> -> memref<1024x32xf32, #tpu.memory_space<hbm>>
    tpu.enqueue_dma source(%arg6 : memref<1024x32xf32, #tpu.memory_space<vmem>>) target(%dma_start3A_141 : memref<1024x32xf32, #tpu.memory_space<hbm>>) target_semaphore(%arg10 : memref<!tpu.dma_semaphore, #tpu.memory_space<semaphore_mem>>)
    %dma_wait3A_142 = arith.constant 0 : i32
    %dma_wait3A_143 = tpu.memref_slice %arg4[%add3A_137, %dma_wait3A_142] : memref<1048576x128xf32, #tpu.memory_space<hbm>> -> memref<1024x32xf32, #tpu.memory_space<hbm>>
    %dma_wait3A_144 = arith.constant 0 : i32
    %dma_wait3A_145 = tpu.memref_slice %arg4[%add3A_137, %dma_wait3A_144] : memref<1048576x128xf32, #tpu.memory_space<hbm>> -> memref<1024x32xf32, #tpu.memory_space<hbm>>
    tpu.wait_dma2 semaphore(%arg10 : memref<!tpu.dma_semaphore, #tpu.memory_space<semaphore_mem>>) src(%arg6 : memref<1024x32xf32, #tpu.memory_space<vmem>>) dst(%dma_wait3A_145 : memref<1024x32xf32, #tpu.memory_space<hbm>>)
    %dma_start3A_146 = arith.constant 8192 : i32
    %dma_start3A_147 = tpu.memref_slice %arg5[%dma_start3A_146] : memref<32768xi32, #tpu.memory_space<vmem>> -> memref<1024xi32, #tpu.memory_space<vmem>>
    %dma_start3A_148 = arith.constant 0 : i32
    %dma_start3A_149 = arith.constant 0 : i32
    %dma_start3A_150 = tpu.memref_slice %arg2[%dma_start3A_148, %dma_start3A_149] : memref<1000000x32xf32, #tpu.memory_space<hbm>> -> memref<1000000x32xf32, #tpu.memory_space<hbm>>
    tpu.enqueue_indirect_dma source(%dma_start3A_150 : memref<1000000x32xf32, #tpu.memory_space<hbm>>) target(%arg6 : memref<1024x32xf32, #tpu.memory_space<vmem>>) offsets(%dma_start3A_147 : memref<1024xi32, #tpu.memory_space<vmem>>) semaphore(%arg8 : memref<!tpu.dma_semaphore, #tpu.memory_space<semaphore_mem>>)
    %dma_wait3A_151 = arith.constant 7168 : i32
    %dma_wait3A_152 = tpu.memref_slice %arg5[%dma_wait3A_151] : memref<32768xi32, #tpu.memory_space<vmem>> -> memref<1024xi32, #tpu.memory_space<vmem>>
    %dma_wait3A_153 = arith.constant 0 : i32
    %dma_wait3A_154 = arith.constant 0 : i32
    %dma_wait3A_155 = tpu.memref_slice %arg2[%dma_wait3A_153, %dma_wait3A_154] : memref<1000000x32xf32, #tpu.memory_space<hbm>> -> memref<1000000x32xf32, #tpu.memory_space<hbm>>
    tpu.wait_indirect_dma semaphore(%arg9 : memref<!tpu.dma_semaphore, #tpu.memory_space<semaphore_mem>>) src(%dma_wait3A_155 : memref<1000000x32xf32, #tpu.memory_space<hbm>>) dst(%arg7 : memref<1024x32xf32, #tpu.memory_space<vmem>>)
    %add3A_156 = arith.constant 7168 : i32
    %add3A_157 = arith.addi %mul3A_2, %add3A_156 : i32
    %dma_start3A_158 = arith.constant 0 : i32
    %dma_start3A_159 = tpu.memref_slice %arg4[%add3A_157, %dma_start3A_158] : memref<1048576x128xf32, #tpu.memory_space<hbm>> -> memref<1024x32xf32, #tpu.memory_space<hbm>>
    %dma_start3A_160 = arith.constant 0 : i32
    %dma_start3A_161 = tpu.memref_slice %arg4[%add3A_157, %dma_start3A_160] : memref<1048576x128xf32, #tpu.memory_space<hbm>> -> memref<1024x32xf32, #tpu.memory_space<hbm>>
    tpu.enqueue_dma source(%arg7 : memref<1024x32xf32, #tpu.memory_space<vmem>>) target(%dma_start3A_161 : memref<1024x32xf32, #tpu.memory_space<hbm>>) target_semaphore(%arg11 : memref<!tpu.dma_semaphore, #tpu.memory_space<semaphore_mem>>)
    %dma_wait3A_162 = arith.constant 0 : i32
    %dma_wait3A_163 = tpu.memref_slice %arg4[%add3A_157, %dma_wait3A_162] : memref<1048576x128xf32, #tpu.memory_space<hbm>> -> memref<1024x32xf32, #tpu.memory_space<hbm>>
    %dma_wait3A_164 = arith.constant 0 : i32
    %dma_wait3A_165 = tpu.memref_slice %arg4[%add3A_157, %dma_wait3A_164] : memref<1048576x128xf32, #tpu.memory_space<hbm>> -> memref<1024x32xf32, #tpu.memory_space<hbm>>
    tpu.wait_dma2 semaphore(%arg11 : memref<!tpu.dma_semaphore, #tpu.memory_space<semaphore_mem>>) src(%arg7 : memref<1024x32xf32, #tpu.memory_space<vmem>>) dst(%dma_wait3A_165 : memref<1024x32xf32, #tpu.memory_space<hbm>>)
    %dma_start3A_166 = arith.constant 9216 : i32
    %dma_start3A_167 = tpu.memref_slice %arg5[%dma_start3A_166] : memref<32768xi32, #tpu.memory_space<vmem>> -> memref<1024xi32, #tpu.memory_space<vmem>>
    %dma_start3A_168 = arith.constant 0 : i32
    %dma_start3A_169 = arith.constant 0 : i32
    %dma_start3A_170 = tpu.memref_slice %arg2[%dma_start3A_168, %dma_start3A_169] : memref<1000000x32xf32, #tpu.memory_space<hbm>> -> memref<1000000x32xf32, #tpu.memory_space<hbm>>
    tpu.enqueue_indirect_dma source(%dma_start3A_170 : memref<1000000x32xf32, #tpu.memory_space<hbm>>) target(%arg7 : memref<1024x32xf32, #tpu.memory_space<vmem>>) offsets(%dma_start3A_167 : memref<1024xi32, #tpu.memory_space<vmem>>) semaphore(%arg9 : memref<!tpu.dma_semaphore, #tpu.memory_space<semaphore_mem>>)
    %dma_wait3A_171 = arith.constant 8192 : i32
    %dma_wait3A_172 = tpu.memref_slice %arg5[%dma_wait3A_171] : memref<32768xi32, #tpu.memory_space<vmem>> -> memref<1024xi32, #tpu.memory_space<vmem>>
    %dma_wait3A_173 = arith.constant 0 : i32
    %dma_wait3A_174 = arith.constant 0 : i32
    %dma_wait3A_175 = tpu.memref_slice %arg2[%dma_wait3A_173, %dma_wait3A_174] : memref<1000000x32xf32, #tpu.memory_space<hbm>> -> memref<1000000x32xf32, #tpu.memory_space<hbm>>
    tpu.wait_indirect_dma semaphore(%arg8 : memref<!tpu.dma_semaphore, #tpu.memory_space<semaphore_mem>>) src(%dma_wait3A_175 : memref<1000000x32xf32, #tpu.memory_space<hbm>>) dst(%arg6 : memref<1024x32xf32, #tpu.memory_space<vmem>>)
    %add3A_176 = arith.constant 8192 : i32
    %add3A_177 = arith.addi %mul3A_2, %add3A_176 : i32
    %dma_start3A_178 = arith.constant 0 : i32
    %dma_start3A_179 = tpu.memref_slice %arg4[%add3A_177, %dma_start3A_178] : memref<1048576x128xf32, #tpu.memory_space<hbm>> -> memref<1024x32xf32, #tpu.memory_space<hbm>>
    %dma_start3A_180 = arith.constant 0 : i32
    %dma_start3A_181 = tpu.memref_slice %arg4[%add3A_177, %dma_start3A_180] : memref<1048576x128xf32, #tpu.memory_space<hbm>> -> memref<1024x32xf32, #tpu.memory_space<hbm>>
    tpu.enqueue_dma source(%arg6 : memref<1024x32xf32, #tpu.memory_space<vmem>>) target(%dma_start3A_181 : memref<1024x32xf32, #tpu.memory_space<hbm>>) target_semaphore(%arg10 : memref<!tpu.dma_semaphore, #tpu.memory_space<semaphore_mem>>)
    %dma_wait3A_182 = arith.constant 0 : i32
    %dma_wait3A_183 = tpu.memref_slice %arg4[%add3A_177, %dma_wait3A_182] : memref<1048576x128xf32, #tpu.memory_space<hbm>> -> memref<1024x32xf32, #tpu.memory_space<hbm>>
    %dma_wait3A_184 = arith.constant 0 : i32
    %dma_wait3A_185 = tpu.memref_slice %arg4[%add3A_177, %dma_wait3A_184] : memref<1048576x128xf32, #tpu.memory_space<hbm>> -> memref<1024x32xf32, #tpu.memory_space<hbm>>
    tpu.wait_dma2 semaphore(%arg10 : memref<!tpu.dma_semaphore, #tpu.memory_space<semaphore_mem>>) src(%arg6 : memref<1024x32xf32, #tpu.memory_space<vmem>>) dst(%dma_wait3A_185 : memref<1024x32xf32, #tpu.memory_space<hbm>>)
    %dma_start3A_186 = arith.constant 10240 : i32
    %dma_start3A_187 = tpu.memref_slice %arg5[%dma_start3A_186] : memref<32768xi32, #tpu.memory_space<vmem>> -> memref<1024xi32, #tpu.memory_space<vmem>>
    %dma_start3A_188 = arith.constant 0 : i32
    %dma_start3A_189 = arith.constant 0 : i32
    %dma_start3A_190 = tpu.memref_slice %arg2[%dma_start3A_188, %dma_start3A_189] : memref<1000000x32xf32, #tpu.memory_space<hbm>> -> memref<1000000x32xf32, #tpu.memory_space<hbm>>
    tpu.enqueue_indirect_dma source(%dma_start3A_190 : memref<1000000x32xf32, #tpu.memory_space<hbm>>) target(%arg6 : memref<1024x32xf32, #tpu.memory_space<vmem>>) offsets(%dma_start3A_187 : memref<1024xi32, #tpu.memory_space<vmem>>) semaphore(%arg8 : memref<!tpu.dma_semaphore, #tpu.memory_space<semaphore_mem>>)
    %dma_wait3A_191 = arith.constant 9216 : i32
    %dma_wait3A_192 = tpu.memref_slice %arg5[%dma_wait3A_191] : memref<32768xi32, #tpu.memory_space<vmem>> -> memref<1024xi32, #tpu.memory_space<vmem>>
    %dma_wait3A_193 = arith.constant 0 : i32
    %dma_wait3A_194 = arith.constant 0 : i32
    %dma_wait3A_195 = tpu.memref_slice %arg2[%dma_wait3A_193, %dma_wait3A_194] : memref<1000000x32xf32, #tpu.memory_space<hbm>> -> memref<1000000x32xf32, #tpu.memory_space<hbm>>
    tpu.wait_indirect_dma semaphore(%arg9 : memref<!tpu.dma_semaphore, #tpu.memory_space<semaphore_mem>>) src(%dma_wait3A_195 : memref<1000000x32xf32, #tpu.memory_space<hbm>>) dst(%arg7 : memref<1024x32xf32, #tpu.memory_space<vmem>>)
    %add3A_196 = arith.constant 9216 : i32
    %add3A_197 = arith.addi %mul3A_2, %add3A_196 : i32
    %dma_start3A_198 = arith.constant 0 : i32
    %dma_start3A_199 = tpu.memref_slice %arg4[%add3A_197, %dma_start3A_198] : memref<1048576x128xf32, #tpu.memory_space<hbm>> -> memref<1024x32xf32, #tpu.memory_space<hbm>>
    %dma_start3A_200 = arith.constant 0 : i32
    %dma_start3A_201 = tpu.memref_slice %arg4[%add3A_197, %dma_start3A_200] : memref<1048576x128xf32, #tpu.memory_space<hbm>> -> memref<1024x32xf32, #tpu.memory_space<hbm>>
    tpu.enqueue_dma source(%arg7 : memref<1024x32xf32, #tpu.memory_space<vmem>>) target(%dma_start3A_201 : memref<1024x32xf32, #tpu.memory_space<hbm>>) target_semaphore(%arg11 : memref<!tpu.dma_semaphore, #tpu.memory_space<semaphore_mem>>)
    %dma_wait3A_202 = arith.constant 0 : i32
    %dma_wait3A_203 = tpu.memref_slice %arg4[%add3A_197, %dma_wait3A_202] : memref<1048576x128xf32, #tpu.memory_space<hbm>> -> memref<1024x32xf32, #tpu.memory_space<hbm>>
    %dma_wait3A_204 = arith.constant 0 : i32
    %dma_wait3A_205 = tpu.memref_slice %arg4[%add3A_197, %dma_wait3A_204] : memref<1048576x128xf32, #tpu.memory_space<hbm>> -> memref<1024x32xf32, #tpu.memory_space<hbm>>
    tpu.wait_dma2 semaphore(%arg11 : memref<!tpu.dma_semaphore, #tpu.memory_space<semaphore_mem>>) src(%arg7 : memref<1024x32xf32, #tpu.memory_space<vmem>>) dst(%dma_wait3A_205 : memref<1024x32xf32, #tpu.memory_space<hbm>>)
    %dma_start3A_206 = arith.constant 11264 : i32
    %dma_start3A_207 = tpu.memref_slice %arg5[%dma_start3A_206] : memref<32768xi32, #tpu.memory_space<vmem>> -> memref<1024xi32, #tpu.memory_space<vmem>>
    %dma_start3A_208 = arith.constant 0 : i32
    %dma_start3A_209 = arith.constant 0 : i32
    %dma_start3A_210 = tpu.memref_slice %arg2[%dma_start3A_208, %dma_start3A_209] : memref<1000000x32xf32, #tpu.memory_space<hbm>> -> memref<1000000x32xf32, #tpu.memory_space<hbm>>
    tpu.enqueue_indirect_dma source(%dma_start3A_210 : memref<1000000x32xf32, #tpu.memory_space<hbm>>) target(%arg7 : memref<1024x32xf32, #tpu.memory_space<vmem>>) offsets(%dma_start3A_207 : memref<1024xi32, #tpu.memory_space<vmem>>) semaphore(%arg9 : memref<!tpu.dma_semaphore, #tpu.memory_space<semaphore_mem>>)
    %dma_wait3A_211 = arith.constant 10240 : i32
    %dma_wait3A_212 = tpu.memref_slice %arg5[%dma_wait3A_211] : memref<32768xi32, #tpu.memory_space<vmem>> -> memref<1024xi32, #tpu.memory_space<vmem>>
    %dma_wait3A_213 = arith.constant 0 : i32
    %dma_wait3A_214 = arith.constant 0 : i32
    %dma_wait3A_215 = tpu.memref_slice %arg2[%dma_wait3A_213, %dma_wait3A_214] : memref<1000000x32xf32, #tpu.memory_space<hbm>> -> memref<1000000x32xf32, #tpu.memory_space<hbm>>
    tpu.wait_indirect_dma semaphore(%arg8 : memref<!tpu.dma_semaphore, #tpu.memory_space<semaphore_mem>>) src(%dma_wait3A_215 : memref<1000000x32xf32, #tpu.memory_space<hbm>>) dst(%arg6 : memref<1024x32xf32, #tpu.memory_space<vmem>>)
    %add3A_216 = arith.constant 10240 : i32
    %add3A_217 = arith.addi %mul3A_2, %add3A_216 : i32
    %dma_start3A_218 = arith.constant 0 : i32
    %dma_start3A_219 = tpu.memref_slice %arg4[%add3A_217, %dma_start3A_218] : memref<1048576x128xf32, #tpu.memory_space<hbm>> -> memref<1024x32xf32, #tpu.memory_space<hbm>>
    %dma_start3A_220 = arith.constant 0 : i32
    %dma_start3A_221 = tpu.memref_slice %arg4[%add3A_217, %dma_start3A_220] : memref<1048576x128xf32, #tpu.memory_space<hbm>> -> memref<1024x32xf32, #tpu.memory_space<hbm>>
    tpu.enqueue_dma source(%arg6 : memref<1024x32xf32, #tpu.memory_space<vmem>>) target(%dma_start3A_221 : memref<1024x32xf32, #tpu.memory_space<hbm>>) target_semaphore(%arg10 : memref<!tpu.dma_semaphore, #tpu.memory_space<semaphore_mem>>)
    %dma_wait3A_222 = arith.constant 0 : i32
    %dma_wait3A_223 = tpu.memref_slice %arg4[%add3A_217, %dma_wait3A_222] : memref<1048576x128xf32, #tpu.memory_space<hbm>> -> memref<1024x32xf32, #tpu.memory_space<hbm>>
    %dma_wait3A_224 = arith.constant 0 : i32
    %dma_wait3A_225 = tpu.memref_slice %arg4[%add3A_217, %dma_wait3A_224] : memref<1048576x128xf32, #tpu.memory_space<hbm>> -> memref<1024x32xf32, #tpu.memory_space<hbm>>
    tpu.wait_dma2 semaphore(%arg10 : memref<!tpu.dma_semaphore, #tpu.memory_space<semaphore_mem>>) src(%arg6 : memref<1024x32xf32, #tpu.memory_space<vmem>>) dst(%dma_wait3A_225 : memref<1024x32xf32, #tpu.memory_space<hbm>>)
    %dma_start3A_226 = arith.constant 12288 : i32
    %dma_start3A_227 = tpu.memref_slice %arg5[%dma_start3A_226] : memref<32768xi32, #tpu.memory_space<vmem>> -> memref<1024xi32, #tpu.memory_space<vmem>>
    %dma_start3A_228 = arith.constant 0 : i32
    %dma_start3A_229 = arith.constant 0 : i32
    %dma_start3A_230 = tpu.memref_slice %arg2[%dma_start3A_228, %dma_start3A_229] : memref<1000000x32xf32, #tpu.memory_space<hbm>> -> memref<1000000x32xf32, #tpu.memory_space<hbm>>
    tpu.enqueue_indirect_dma source(%dma_start3A_230 : memref<1000000x32xf32, #tpu.memory_space<hbm>>) target(%arg6 : memref<1024x32xf32, #tpu.memory_space<vmem>>) offsets(%dma_start3A_227 : memref<1024xi32, #tpu.memory_space<vmem>>) semaphore(%arg8 : memref<!tpu.dma_semaphore, #tpu.memory_space<semaphore_mem>>)
    %dma_wait3A_231 = arith.constant 11264 : i32
    %dma_wait3A_232 = tpu.memref_slice %arg5[%dma_wait3A_231] : memref<32768xi32, #tpu.memory_space<vmem>> -> memref<1024xi32, #tpu.memory_space<vmem>>
    %dma_wait3A_233 = arith.constant 0 : i32
    %dma_wait3A_234 = arith.constant 0 : i32
    %dma_wait3A_235 = tpu.memref_slice %arg2[%dma_wait3A_233, %dma_wait3A_234] : memref<1000000x32xf32, #tpu.memory_space<hbm>> -> memref<1000000x32xf32, #tpu.memory_space<hbm>>
    tpu.wait_indirect_dma semaphore(%arg9 : memref<!tpu.dma_semaphore, #tpu.memory_space<semaphore_mem>>) src(%dma_wait3A_235 : memref<1000000x32xf32, #tpu.memory_space<hbm>>) dst(%arg7 : memref<1024x32xf32, #tpu.memory_space<vmem>>)
    %add3A_236 = arith.constant 11264 : i32
    %add3A_237 = arith.addi %mul3A_2, %add3A_236 : i32
    %dma_start3A_238 = arith.constant 0 : i32
    %dma_start3A_239 = tpu.memref_slice %arg4[%add3A_237, %dma_start3A_238] : memref<1048576x128xf32, #tpu.memory_space<hbm>> -> memref<1024x32xf32, #tpu.memory_space<hbm>>
    %dma_start3A_240 = arith.constant 0 : i32
    %dma_start3A_241 = tpu.memref_slice %arg4[%add3A_237, %dma_start3A_240] : memref<1048576x128xf32, #tpu.memory_space<hbm>> -> memref<1024x32xf32, #tpu.memory_space<hbm>>
    tpu.enqueue_dma source(%arg7 : memref<1024x32xf32, #tpu.memory_space<vmem>>) target(%dma_start3A_241 : memref<1024x32xf32, #tpu.memory_space<hbm>>) target_semaphore(%arg11 : memref<!tpu.dma_semaphore, #tpu.memory_space<semaphore_mem>>)
    %dma_wait3A_242 = arith.constant 0 : i32
    %dma_wait3A_243 = tpu.memref_slice %arg4[%add3A_237, %dma_wait3A_242] : memref<1048576x128xf32, #tpu.memory_space<hbm>> -> memref<1024x32xf32, #tpu.memory_space<hbm>>
    %dma_wait3A_244 = arith.constant 0 : i32
    %dma_wait3A_245 = tpu.memref_slice %arg4[%add3A_237, %dma_wait3A_244] : memref<1048576x128xf32, #tpu.memory_space<hbm>> -> memref<1024x32xf32, #tpu.memory_space<hbm>>
    tpu.wait_dma2 semaphore(%arg11 : memref<!tpu.dma_semaphore, #tpu.memory_space<semaphore_mem>>) src(%arg7 : memref<1024x32xf32, #tpu.memory_space<vmem>>) dst(%dma_wait3A_245 : memref<1024x32xf32, #tpu.memory_space<hbm>>)
    %dma_start3A_246 = arith.constant 13312 : i32
    %dma_start3A_247 = tpu.memref_slice %arg5[%dma_start3A_246] : memref<32768xi32, #tpu.memory_space<vmem>> -> memref<1024xi32, #tpu.memory_space<vmem>>
    %dma_start3A_248 = arith.constant 0 : i32
    %dma_start3A_249 = arith.constant 0 : i32
    %dma_start3A_250 = tpu.memref_slice %arg2[%dma_start3A_248, %dma_start3A_249] : memref<1000000x32xf32, #tpu.memory_space<hbm>> -> memref<1000000x32xf32, #tpu.memory_space<hbm>>
    tpu.enqueue_indirect_dma source(%dma_start3A_250 : memref<1000000x32xf32, #tpu.memory_space<hbm>>) target(%arg7 : memref<1024x32xf32, #tpu.memory_space<vmem>>) offsets(%dma_start3A_247 : memref<1024xi32, #tpu.memory_space<vmem>>) semaphore(%arg9 : memref<!tpu.dma_semaphore, #tpu.memory_space<semaphore_mem>>)
    %dma_wait3A_251 = arith.constant 12288 : i32
    %dma_wait3A_252 = tpu.memref_slice %arg5[%dma_wait3A_251] : memref<32768xi32, #tpu.memory_space<vmem>> -> memref<1024xi32, #tpu.memory_space<vmem>>
    %dma_wait3A_253 = arith.constant 0 : i32
    %dma_wait3A_254 = arith.constant 0 : i32
    %dma_wait3A_255 = tpu.memref_slice %arg2[%dma_wait3A_253, %dma_wait3A_254] : memref<1000000x32xf32, #tpu.memory_space<hbm>> -> memref<1000000x32xf32, #tpu.memory_space<hbm>>
    tpu.wait_indirect_dma semaphore(%arg8 : memref<!tpu.dma_semaphore, #tpu.memory_space<semaphore_mem>>) src(%dma_wait3A_255 : memref<1000000x32xf32, #tpu.memory_space<hbm>>) dst(%arg6 : memref<1024x32xf32, #tpu.memory_space<vmem>>)
    %add3A_256 = arith.constant 12288 : i32
    %add3A_257 = arith.addi %mul3A_2, %add3A_256 : i32
    %dma_start3A_258 = arith.constant 0 : i32
    %dma_start3A_259 = tpu.memref_slice %arg4[%add3A_257, %dma_start3A_258] : memref<1048576x128xf32, #tpu.memory_space<hbm>> -> memref<1024x32xf32, #tpu.memory_space<hbm>>
    %dma_start3A_260 = arith.constant 0 : i32
    %dma_start3A_261 = tpu.memref_slice %arg4[%add3A_257, %dma_start3A_260] : memref<1048576x128xf32, #tpu.memory_space<hbm>> -> memref<1024x32xf32, #tpu.memory_space<hbm>>
    tpu.enqueue_dma source(%arg6 : memref<1024x32xf32, #tpu.memory_space<vmem>>) target(%dma_start3A_261 : memref<1024x32xf32, #tpu.memory_space<hbm>>) target_semaphore(%arg10 : memref<!tpu.dma_semaphore, #tpu.memory_space<semaphore_mem>>)
    %dma_wait3A_262 = arith.constant 0 : i32
    %dma_wait3A_263 = tpu.memref_slice %arg4[%add3A_257, %dma_wait3A_262] : memref<1048576x128xf32, #tpu.memory_space<hbm>> -> memref<1024x32xf32, #tpu.memory_space<hbm>>
    %dma_wait3A_264 = arith.constant 0 : i32
    %dma_wait3A_265 = tpu.memref_slice %arg4[%add3A_257, %dma_wait3A_264] : memref<1048576x128xf32, #tpu.memory_space<hbm>> -> memref<1024x32xf32, #tpu.memory_space<hbm>>
    tpu.wait_dma2 semaphore(%arg10 : memref<!tpu.dma_semaphore, #tpu.memory_space<semaphore_mem>>) src(%arg6 : memref<1024x32xf32, #tpu.memory_space<vmem>>) dst(%dma_wait3A_265 : memref<1024x32xf32, #tpu.memory_space<hbm>>)
    %dma_start3A_266 = arith.constant 14336 : i32
    %dma_start3A_267 = tpu.memref_slice %arg5[%dma_start3A_266] : memref<32768xi32, #tpu.memory_space<vmem>> -> memref<1024xi32, #tpu.memory_space<vmem>>
    %dma_start3A_268 = arith.constant 0 : i32
    %dma_start3A_269 = arith.constant 0 : i32
    %dma_start3A_270 = tpu.memref_slice %arg2[%dma_start3A_268, %dma_start3A_269] : memref<1000000x32xf32, #tpu.memory_space<hbm>> -> memref<1000000x32xf32, #tpu.memory_space<hbm>>
    tpu.enqueue_indirect_dma source(%dma_start3A_270 : memref<1000000x32xf32, #tpu.memory_space<hbm>>) target(%arg6 : memref<1024x32xf32, #tpu.memory_space<vmem>>) offsets(%dma_start3A_267 : memref<1024xi32, #tpu.memory_space<vmem>>) semaphore(%arg8 : memref<!tpu.dma_semaphore, #tpu.memory_space<semaphore_mem>>)
    %dma_wait3A_271 = arith.constant 13312 : i32
    %dma_wait3A_272 = tpu.memref_slice %arg5[%dma_wait3A_271] : memref<32768xi32, #tpu.memory_space<vmem>> -> memref<1024xi32, #tpu.memory_space<vmem>>
    %dma_wait3A_273 = arith.constant 0 : i32
    %dma_wait3A_274 = arith.constant 0 : i32
    %dma_wait3A_275 = tpu.memref_slice %arg2[%dma_wait3A_273, %dma_wait3A_274] : memref<1000000x32xf32, #tpu.memory_space<hbm>> -> memref<1000000x32xf32, #tpu.memory_space<hbm>>
    tpu.wait_indirect_dma semaphore(%arg9 : memref<!tpu.dma_semaphore, #tpu.memory_space<semaphore_mem>>) src(%dma_wait3A_275 : memref<1000000x32xf32, #tpu.memory_space<hbm>>) dst(%arg7 : memref<1024x32xf32, #tpu.memory_space<vmem>>)
    %add3A_276 = arith.constant 13312 : i32
    %add3A_277 = arith.addi %mul3A_2, %add3A_276 : i32
    %dma_start3A_278 = arith.constant 0 : i32
    %dma_start3A_279 = tpu.memref_slice %arg4[%add3A_277, %dma_start3A_278] : memref<1048576x128xf32, #tpu.memory_space<hbm>> -> memref<1024x32xf32, #tpu.memory_space<hbm>>
    %dma_start3A_280 = arith.constant 0 : i32
    %dma_start3A_281 = tpu.memref_slice %arg4[%add3A_277, %dma_start3A_280] : memref<1048576x128xf32, #tpu.memory_space<hbm>> -> memref<1024x32xf32, #tpu.memory_space<hbm>>
    tpu.enqueue_dma source(%arg7 : memref<1024x32xf32, #tpu.memory_space<vmem>>) target(%dma_start3A_281 : memref<1024x32xf32, #tpu.memory_space<hbm>>) target_semaphore(%arg11 : memref<!tpu.dma_semaphore, #tpu.memory_space<semaphore_mem>>)
    %dma_wait3A_282 = arith.constant 0 : i32
    %dma_wait3A_283 = tpu.memref_slice %arg4[%add3A_277, %dma_wait3A_282] : memref<1048576x128xf32, #tpu.memory_space<hbm>> -> memref<1024x32xf32, #tpu.memory_space<hbm>>
    %dma_wait3A_284 = arith.constant 0 : i32
    %dma_wait3A_285 = tpu.memref_slice %arg4[%add3A_277, %dma_wait3A_284] : memref<1048576x128xf32, #tpu.memory_space<hbm>> -> memref<1024x32xf32, #tpu.memory_space<hbm>>
    tpu.wait_dma2 semaphore(%arg11 : memref<!tpu.dma_semaphore, #tpu.memory_space<semaphore_mem>>) src(%arg7 : memref<1024x32xf32, #tpu.memory_space<vmem>>) dst(%dma_wait3A_285 : memref<1024x32xf32, #tpu.memory_space<hbm>>)
    %dma_start3A_286 = arith.constant 15360 : i32
    %dma_start3A_287 = tpu.memref_slice %arg5[%dma_start3A_286] : memref<32768xi32, #tpu.memory_space<vmem>> -> memref<1024xi32, #tpu.memory_space<vmem>>
    %dma_start3A_288 = arith.constant 0 : i32
    %dma_start3A_289 = arith.constant 0 : i32
    %dma_start3A_290 = tpu.memref_slice %arg2[%dma_start3A_288, %dma_start3A_289] : memref<1000000x32xf32, #tpu.memory_space<hbm>> -> memref<1000000x32xf32, #tpu.memory_space<hbm>>
    tpu.enqueue_indirect_dma source(%dma_start3A_290 : memref<1000000x32xf32, #tpu.memory_space<hbm>>) target(%arg7 : memref<1024x32xf32, #tpu.memory_space<vmem>>) offsets(%dma_start3A_287 : memref<1024xi32, #tpu.memory_space<vmem>>) semaphore(%arg9 : memref<!tpu.dma_semaphore, #tpu.memory_space<semaphore_mem>>)
    %dma_wait3A_291 = arith.constant 14336 : i32
    %dma_wait3A_292 = tpu.memref_slice %arg5[%dma_wait3A_291] : memref<32768xi32, #tpu.memory_space<vmem>> -> memref<1024xi32, #tpu.memory_space<vmem>>
    %dma_wait3A_293 = arith.constant 0 : i32
    %dma_wait3A_294 = arith.constant 0 : i32
    %dma_wait3A_295 = tpu.memref_slice %arg2[%dma_wait3A_293, %dma_wait3A_294] : memref<1000000x32xf32, #tpu.memory_space<hbm>> -> memref<1000000x32xf32, #tpu.memory_space<hbm>>
    tpu.wait_indirect_dma semaphore(%arg8 : memref<!tpu.dma_semaphore, #tpu.memory_space<semaphore_mem>>) src(%dma_wait3A_295 : memref<1000000x32xf32, #tpu.memory_space<hbm>>) dst(%arg6 : memref<1024x32xf32, #tpu.memory_space<vmem>>)
    %add3A_296 = arith.constant 14336 : i32
    %add3A_297 = arith.addi %mul3A_2, %add3A_296 : i32
    %dma_start3A_298 = arith.constant 0 : i32
    %dma_start3A_299 = tpu.memref_slice %arg4[%add3A_297, %dma_start3A_298] : memref<1048576x128xf32, #tpu.memory_space<hbm>> -> memref<1024x32xf32, #tpu.memory_space<hbm>>
    %dma_start3A_300 = arith.constant 0 : i32
    %dma_start3A_301 = tpu.memref_slice %arg4[%add3A_297, %dma_start3A_300] : memref<1048576x128xf32, #tpu.memory_space<hbm>> -> memref<1024x32xf32, #tpu.memory_space<hbm>>
    tpu.enqueue_dma source(%arg6 : memref<1024x32xf32, #tpu.memory_space<vmem>>) target(%dma_start3A_301 : memref<1024x32xf32, #tpu.memory_space<hbm>>) target_semaphore(%arg10 : memref<!tpu.dma_semaphore, #tpu.memory_space<semaphore_mem>>)
    %dma_wait3A_302 = arith.constant 0 : i32
    %dma_wait3A_303 = tpu.memref_slice %arg4[%add3A_297, %dma_wait3A_302] : memref<1048576x128xf32, #tpu.memory_space<hbm>> -> memref<1024x32xf32, #tpu.memory_space<hbm>>
    %dma_wait3A_304 = arith.constant 0 : i32
    %dma_wait3A_305 = tpu.memref_slice %arg4[%add3A_297, %dma_wait3A_304] : memref<1048576x128xf32, #tpu.memory_space<hbm>> -> memref<1024x32xf32, #tpu.memory_space<hbm>>
    tpu.wait_dma2 semaphore(%arg10 : memref<!tpu.dma_semaphore, #tpu.memory_space<semaphore_mem>>) src(%arg6 : memref<1024x32xf32, #tpu.memory_space<vmem>>) dst(%dma_wait3A_305 : memref<1024x32xf32, #tpu.memory_space<hbm>>)
    %dma_start3A_306 = arith.constant 16384 : i32
    %dma_start3A_307 = tpu.memref_slice %arg5[%dma_start3A_306] : memref<32768xi32, #tpu.memory_space<vmem>> -> memref<1024xi32, #tpu.memory_space<vmem>>
    %dma_start3A_308 = arith.constant 0 : i32
    %dma_start3A_309 = arith.constant 0 : i32
    %dma_start3A_310 = tpu.memref_slice %arg2[%dma_start3A_308, %dma_start3A_309] : memref<1000000x32xf32, #tpu.memory_space<hbm>> -> memref<1000000x32xf32, #tpu.memory_space<hbm>>
    tpu.enqueue_indirect_dma source(%dma_start3A_310 : memref<1000000x32xf32, #tpu.memory_space<hbm>>) target(%arg6 : memref<1024x32xf32, #tpu.memory_space<vmem>>) offsets(%dma_start3A_307 : memref<1024xi32, #tpu.memory_space<vmem>>) semaphore(%arg8 : memref<!tpu.dma_semaphore, #tpu.memory_space<semaphore_mem>>)
    %dma_wait3A_311 = arith.constant 15360 : i32
    %dma_wait3A_312 = tpu.memref_slice %arg5[%dma_wait3A_311] : memref<32768xi32, #tpu.memory_space<vmem>> -> memref<1024xi32, #tpu.memory_space<vmem>>
    %dma_wait3A_313 = arith.constant 0 : i32
    %dma_wait3A_314 = arith.constant 0 : i32
    %dma_wait3A_315 = tpu.memref_slice %arg2[%dma_wait3A_313, %dma_wait3A_314] : memref<1000000x32xf32, #tpu.memory_space<hbm>> -> memref<1000000x32xf32, #tpu.memory_space<hbm>>
    tpu.wait_indirect_dma semaphore(%arg9 : memref<!tpu.dma_semaphore, #tpu.memory_space<semaphore_mem>>) src(%dma_wait3A_315 : memref<1000000x32xf32, #tpu.memory_space<hbm>>) dst(%arg7 : memref<1024x32xf32, #tpu.memory_space<vmem>>)
    %add3A_316 = arith.constant 15360 : i32
    %add3A_317 = arith.addi %mul3A_2, %add3A_316 : i32
    %dma_start3A_318 = arith.constant 0 : i32
    %dma_start3A_319 = tpu.memref_slice %arg4[%add3A_317, %dma_start3A_318] : memref<1048576x128xf32, #tpu.memory_space<hbm>> -> memref<1024x32xf32, #tpu.memory_space<hbm>>
    %dma_start3A_320 = arith.constant 0 : i32
    %dma_start3A_321 = tpu.memref_slice %arg4[%add3A_317, %dma_start3A_320] : memref<1048576x128xf32, #tpu.memory_space<hbm>> -> memref<1024x32xf32, #tpu.memory_space<hbm>>
    tpu.enqueue_dma source(%arg7 : memref<1024x32xf32, #tpu.memory_space<vmem>>) target(%dma_start3A_321 : memref<1024x32xf32, #tpu.memory_space<hbm>>) target_semaphore(%arg11 : memref<!tpu.dma_semaphore, #tpu.memory_space<semaphore_mem>>)
    %dma_wait3A_322 = arith.constant 0 : i32
    %dma_wait3A_323 = tpu.memref_slice %arg4[%add3A_317, %dma_wait3A_322] : memref<1048576x128xf32, #tpu.memory_space<hbm>> -> memref<1024x32xf32, #tpu.memory_space<hbm>>
    %dma_wait3A_324 = arith.constant 0 : i32
    %dma_wait3A_325 = tpu.memref_slice %arg4[%add3A_317, %dma_wait3A_324] : memref<1048576x128xf32, #tpu.memory_space<hbm>> -> memref<1024x32xf32, #tpu.memory_space<hbm>>
    tpu.wait_dma2 semaphore(%arg11 : memref<!tpu.dma_semaphore, #tpu.memory_space<semaphore_mem>>) src(%arg7 : memref<1024x32xf32, #tpu.memory_space<vmem>>) dst(%dma_wait3A_325 : memref<1024x32xf32, #tpu.memory_space<hbm>>)
    %dma_start3A_326 = arith.constant 17408 : i32
    %dma_start3A_327 = tpu.memref_slice %arg5[%dma_start3A_326] : memref<32768xi32, #tpu.memory_space<vmem>> -> memref<1024xi32, #tpu.memory_space<vmem>>
    %dma_start3A_328 = arith.constant 0 : i32
    %dma_start3A_329 = arith.constant 0 : i32
    %dma_start3A_330 = tpu.memref_slice %arg2[%dma_start3A_328, %dma_start3A_329] : memref<1000000x32xf32, #tpu.memory_space<hbm>> -> memref<1000000x32xf32, #tpu.memory_space<hbm>>
    tpu.enqueue_indirect_dma source(%dma_start3A_330 : memref<1000000x32xf32, #tpu.memory_space<hbm>>) target(%arg7 : memref<1024x32xf32, #tpu.memory_space<vmem>>) offsets(%dma_start3A_327 : memref<1024xi32, #tpu.memory_space<vmem>>) semaphore(%arg9 : memref<!tpu.dma_semaphore, #tpu.memory_space<semaphore_mem>>)
    %dma_wait3A_331 = arith.constant 16384 : i32
    %dma_wait3A_332 = tpu.memref_slice %arg5[%dma_wait3A_331] : memref<32768xi32, #tpu.memory_space<vmem>> -> memref<1024xi32, #tpu.memory_space<vmem>>
    %dma_wait3A_333 = arith.constant 0 : i32
    %dma_wait3A_334 = arith.constant 0 : i32
    %dma_wait3A_335 = tpu.memref_slice %arg2[%dma_wait3A_333, %dma_wait3A_334] : memref<1000000x32xf32, #tpu.memory_space<hbm>> -> memref<1000000x32xf32, #tpu.memory_space<hbm>>
    tpu.wait_indirect_dma semaphore(%arg8 : memref<!tpu.dma_semaphore, #tpu.memory_space<semaphore_mem>>) src(%dma_wait3A_335 : memref<1000000x32xf32, #tpu.memory_space<hbm>>) dst(%arg6 : memref<1024x32xf32, #tpu.memory_space<vmem>>)
    %add3A_336 = arith.constant 16384 : i32
    %add3A_337 = arith.addi %mul3A_2, %add3A_336 : i32
    %dma_start3A_338 = arith.constant 0 : i32
    %dma_start3A_339 = tpu.memref_slice %arg4[%add3A_337, %dma_start3A_338] : memref<1048576x128xf32, #tpu.memory_space<hbm>> -> memref<1024x32xf32, #tpu.memory_space<hbm>>
    %dma_start3A_340 = arith.constant 0 : i32
    %dma_start3A_341 = tpu.memref_slice %arg4[%add3A_337, %dma_start3A_340] : memref<1048576x128xf32, #tpu.memory_space<hbm>> -> memref<1024x32xf32, #tpu.memory_space<hbm>>
    tpu.enqueue_dma source(%arg6 : memref<1024x32xf32, #tpu.memory_space<vmem>>) target(%dma_start3A_341 : memref<1024x32xf32, #tpu.memory_space<hbm>>) target_semaphore(%arg10 : memref<!tpu.dma_semaphore, #tpu.memory_space<semaphore_mem>>)
    %dma_wait3A_342 = arith.constant 0 : i32
    %dma_wait3A_343 = tpu.memref_slice %arg4[%add3A_337, %dma_wait3A_342] : memref<1048576x128xf32, #tpu.memory_space<hbm>> -> memref<1024x32xf32, #tpu.memory_space<hbm>>
    %dma_wait3A_344 = arith.constant 0 : i32
    %dma_wait3A_345 = tpu.memref_slice %arg4[%add3A_337, %dma_wait3A_344] : memref<1048576x128xf32, #tpu.memory_space<hbm>> -> memref<1024x32xf32, #tpu.memory_space<hbm>>
    tpu.wait_dma2 semaphore(%arg10 : memref<!tpu.dma_semaphore, #tpu.memory_space<semaphore_mem>>) src(%arg6 : memref<1024x32xf32, #tpu.memory_space<vmem>>) dst(%dma_wait3A_345 : memref<1024x32xf32, #tpu.memory_space<hbm>>)
    %dma_start3A_346 = arith.constant 18432 : i32
    %dma_start3A_347 = tpu.memref_slice %arg5[%dma_start3A_346] : memref<32768xi32, #tpu.memory_space<vmem>> -> memref<1024xi32, #tpu.memory_space<vmem>>
    %dma_start3A_348 = arith.constant 0 : i32
    %dma_start3A_349 = arith.constant 0 : i32
    %dma_start3A_350 = tpu.memref_slice %arg2[%dma_start3A_348, %dma_start3A_349] : memref<1000000x32xf32, #tpu.memory_space<hbm>> -> memref<1000000x32xf32, #tpu.memory_space<hbm>>
    tpu.enqueue_indirect_dma source(%dma_start3A_350 : memref<1000000x32xf32, #tpu.memory_space<hbm>>) target(%arg6 : memref<1024x32xf32, #tpu.memory_space<vmem>>) offsets(%dma_start3A_347 : memref<1024xi32, #tpu.memory_space<vmem>>) semaphore(%arg8 : memref<!tpu.dma_semaphore, #tpu.memory_space<semaphore_mem>>)
    %dma_wait3A_351 = arith.constant 17408 : i32
    %dma_wait3A_352 = tpu.memref_slice %arg5[%dma_wait3A_351] : memref<32768xi32, #tpu.memory_space<vmem>> -> memref<1024xi32, #tpu.memory_space<vmem>>
    %dma_wait3A_353 = arith.constant 0 : i32
    %dma_wait3A_354 = arith.constant 0 : i32
    %dma_wait3A_355 = tpu.memref_slice %arg2[%dma_wait3A_353, %dma_wait3A_354] : memref<1000000x32xf32, #tpu.memory_space<hbm>> -> memref<1000000x32xf32, #tpu.memory_space<hbm>>
    tpu.wait_indirect_dma semaphore(%arg9 : memref<!tpu.dma_semaphore, #tpu.memory_space<semaphore_mem>>) src(%dma_wait3A_355 : memref<1000000x32xf32, #tpu.memory_space<hbm>>) dst(%arg7 : memref<1024x32xf32, #tpu.memory_space<vmem>>)
    %add3A_356 = arith.constant 17408 : i32
    %add3A_357 = arith.addi %mul3A_2, %add3A_356 : i32
    %dma_start3A_358 = arith.constant 0 : i32
    %dma_start3A_359 = tpu.memref_slice %arg4[%add3A_357, %dma_start3A_358] : memref<1048576x128xf32, #tpu.memory_space<hbm>> -> memref<1024x32xf32, #tpu.memory_space<hbm>>
    %dma_start3A_360 = arith.constant 0 : i32
    %dma_start3A_361 = tpu.memref_slice %arg4[%add3A_357, %dma_start3A_360] : memref<1048576x128xf32, #tpu.memory_space<hbm>> -> memref<1024x32xf32, #tpu.memory_space<hbm>>
    tpu.enqueue_dma source(%arg7 : memref<1024x32xf32, #tpu.memory_space<vmem>>) target(%dma_start3A_361 : memref<1024x32xf32, #tpu.memory_space<hbm>>) target_semaphore(%arg11 : memref<!tpu.dma_semaphore, #tpu.memory_space<semaphore_mem>>)
    %dma_wait3A_362 = arith.constant 0 : i32
    %dma_wait3A_363 = tpu.memref_slice %arg4[%add3A_357, %dma_wait3A_362] : memref<1048576x128xf32, #tpu.memory_space<hbm>> -> memref<1024x32xf32, #tpu.memory_space<hbm>>
    %dma_wait3A_364 = arith.constant 0 : i32
    %dma_wait3A_365 = tpu.memref_slice %arg4[%add3A_357, %dma_wait3A_364] : memref<1048576x128xf32, #tpu.memory_space<hbm>> -> memref<1024x32xf32, #tpu.memory_space<hbm>>
    tpu.wait_dma2 semaphore(%arg11 : memref<!tpu.dma_semaphore, #tpu.memory_space<semaphore_mem>>) src(%arg7 : memref<1024x32xf32, #tpu.memory_space<vmem>>) dst(%dma_wait3A_365 : memref<1024x32xf32, #tpu.memory_space<hbm>>)
    %dma_start3A_366 = arith.constant 19456 : i32
    %dma_start3A_367 = tpu.memref_slice %arg5[%dma_start3A_366] : memref<32768xi32, #tpu.memory_space<vmem>> -> memref<1024xi32, #tpu.memory_space<vmem>>
    %dma_start3A_368 = arith.constant 0 : i32
    %dma_start3A_369 = arith.constant 0 : i32
    %dma_start3A_370 = tpu.memref_slice %arg2[%dma_start3A_368, %dma_start3A_369] : memref<1000000x32xf32, #tpu.memory_space<hbm>> -> memref<1000000x32xf32, #tpu.memory_space<hbm>>
    tpu.enqueue_indirect_dma source(%dma_start3A_370 : memref<1000000x32xf32, #tpu.memory_space<hbm>>) target(%arg7 : memref<1024x32xf32, #tpu.memory_space<vmem>>) offsets(%dma_start3A_367 : memref<1024xi32, #tpu.memory_space<vmem>>) semaphore(%arg9 : memref<!tpu.dma_semaphore, #tpu.memory_space<semaphore_mem>>)
    %dma_wait3A_371 = arith.constant 18432 : i32
    %dma_wait3A_372 = tpu.memref_slice %arg5[%dma_wait3A_371] : memref<32768xi32, #tpu.memory_space<vmem>> -> memref<1024xi32, #tpu.memory_space<vmem>>
    %dma_wait3A_373 = arith.constant 0 : i32
    %dma_wait3A_374 = arith.constant 0 : i32
    %dma_wait3A_375 = tpu.memref_slice %arg2[%dma_wait3A_373, %dma_wait3A_374] : memref<1000000x32xf32, #tpu.memory_space<hbm>> -> memref<1000000x32xf32, #tpu.memory_space<hbm>>
    tpu.wait_indirect_dma semaphore(%arg8 : memref<!tpu.dma_semaphore, #tpu.memory_space<semaphore_mem>>) src(%dma_wait3A_375 : memref<1000000x32xf32, #tpu.memory_space<hbm>>) dst(%arg6 : memref<1024x32xf32, #tpu.memory_space<vmem>>)
    %add3A_376 = arith.constant 18432 : i32
    %add3A_377 = arith.addi %mul3A_2, %add3A_376 : i32
    %dma_start3A_378 = arith.constant 0 : i32
    %dma_start3A_379 = tpu.memref_slice %arg4[%add3A_377, %dma_start3A_378] : memref<1048576x128xf32, #tpu.memory_space<hbm>> -> memref<1024x32xf32, #tpu.memory_space<hbm>>
    %dma_start3A_380 = arith.constant 0 : i32
    %dma_start3A_381 = tpu.memref_slice %arg4[%add3A_377, %dma_start3A_380] : memref<1048576x128xf32, #tpu.memory_space<hbm>> -> memref<1024x32xf32, #tpu.memory_space<hbm>>
    tpu.enqueue_dma source(%arg6 : memref<1024x32xf32, #tpu.memory_space<vmem>>) target(%dma_start3A_381 : memref<1024x32xf32, #tpu.memory_space<hbm>>) target_semaphore(%arg10 : memref<!tpu.dma_semaphore, #tpu.memory_space<semaphore_mem>>)
    %dma_wait3A_382 = arith.constant 0 : i32
    %dma_wait3A_383 = tpu.memref_slice %arg4[%add3A_377, %dma_wait3A_382] : memref<1048576x128xf32, #tpu.memory_space<hbm>> -> memref<1024x32xf32, #tpu.memory_space<hbm>>
    %dma_wait3A_384 = arith.constant 0 : i32
    %dma_wait3A_385 = tpu.memref_slice %arg4[%add3A_377, %dma_wait3A_384] : memref<1048576x128xf32, #tpu.memory_space<hbm>> -> memref<1024x32xf32, #tpu.memory_space<hbm>>
    tpu.wait_dma2 semaphore(%arg10 : memref<!tpu.dma_semaphore, #tpu.memory_space<semaphore_mem>>) src(%arg6 : memref<1024x32xf32, #tpu.memory_space<vmem>>) dst(%dma_wait3A_385 : memref<1024x32xf32, #tpu.memory_space<hbm>>)
    %dma_start3A_386 = arith.constant 20480 : i32
    %dma_start3A_387 = tpu.memref_slice %arg5[%dma_start3A_386] : memref<32768xi32, #tpu.memory_space<vmem>> -> memref<1024xi32, #tpu.memory_space<vmem>>
    %dma_start3A_388 = arith.constant 0 : i32
    %dma_start3A_389 = arith.constant 0 : i32
    %dma_start3A_390 = tpu.memref_slice %arg2[%dma_start3A_388, %dma_start3A_389] : memref<1000000x32xf32, #tpu.memory_space<hbm>> -> memref<1000000x32xf32, #tpu.memory_space<hbm>>
    tpu.enqueue_indirect_dma source(%dma_start3A_390 : memref<1000000x32xf32, #tpu.memory_space<hbm>>) target(%arg6 : memref<1024x32xf32, #tpu.memory_space<vmem>>) offsets(%dma_start3A_387 : memref<1024xi32, #tpu.memory_space<vmem>>) semaphore(%arg8 : memref<!tpu.dma_semaphore, #tpu.memory_space<semaphore_mem>>)
    %dma_wait3A_391 = arith.constant 19456 : i32
    %dma_wait3A_392 = tpu.memref_slice %arg5[%dma_wait3A_391] : memref<32768xi32, #tpu.memory_space<vmem>> -> memref<1024xi32, #tpu.memory_space<vmem>>
    %dma_wait3A_393 = arith.constant 0 : i32
    %dma_wait3A_394 = arith.constant 0 : i32
    %dma_wait3A_395 = tpu.memref_slice %arg2[%dma_wait3A_393, %dma_wait3A_394] : memref<1000000x32xf32, #tpu.memory_space<hbm>> -> memref<1000000x32xf32, #tpu.memory_space<hbm>>
    tpu.wait_indirect_dma semaphore(%arg9 : memref<!tpu.dma_semaphore, #tpu.memory_space<semaphore_mem>>) src(%dma_wait3A_395 : memref<1000000x32xf32, #tpu.memory_space<hbm>>) dst(%arg7 : memref<1024x32xf32, #tpu.memory_space<vmem>>)
    %add3A_396 = arith.constant 19456 : i32
    %add3A_397 = arith.addi %mul3A_2, %add3A_396 : i32
    %dma_start3A_398 = arith.constant 0 : i32
    %dma_start3A_399 = tpu.memref_slice %arg4[%add3A_397, %dma_start3A_398] : memref<1048576x128xf32, #tpu.memory_space<hbm>> -> memref<1024x32xf32, #tpu.memory_space<hbm>>
    %dma_start3A_400 = arith.constant 0 : i32
    %dma_start3A_401 = tpu.memref_slice %arg4[%add3A_397, %dma_start3A_400] : memref<1048576x128xf32, #tpu.memory_space<hbm>> -> memref<1024x32xf32, #tpu.memory_space<hbm>>
    tpu.enqueue_dma source(%arg7 : memref<1024x32xf32, #tpu.memory_space<vmem>>) target(%dma_start3A_401 : memref<1024x32xf32, #tpu.memory_space<hbm>>) target_semaphore(%arg11 : memref<!tpu.dma_semaphore, #tpu.memory_space<semaphore_mem>>)
    %dma_wait3A_402 = arith.constant 0 : i32
    %dma_wait3A_403 = tpu.memref_slice %arg4[%add3A_397, %dma_wait3A_402] : memref<1048576x128xf32, #tpu.memory_space<hbm>> -> memref<1024x32xf32, #tpu.memory_space<hbm>>
    %dma_wait3A_404 = arith.constant 0 : i32
    %dma_wait3A_405 = tpu.memref_slice %arg4[%add3A_397, %dma_wait3A_404] : memref<1048576x128xf32, #tpu.memory_space<hbm>> -> memref<1024x32xf32, #tpu.memory_space<hbm>>
    tpu.wait_dma2 semaphore(%arg11 : memref<!tpu.dma_semaphore, #tpu.memory_space<semaphore_mem>>) src(%arg7 : memref<1024x32xf32, #tpu.memory_space<vmem>>) dst(%dma_wait3A_405 : memref<1024x32xf32, #tpu.memory_space<hbm>>)
    %dma_start3A_406 = arith.constant 21504 : i32
    %dma_start3A_407 = tpu.memref_slice %arg5[%dma_start3A_406] : memref<32768xi32, #tpu.memory_space<vmem>> -> memref<1024xi32, #tpu.memory_space<vmem>>
    %dma_start3A_408 = arith.constant 0 : i32
    %dma_start3A_409 = arith.constant 0 : i32
    %dma_start3A_410 = tpu.memref_slice %arg2[%dma_start3A_408, %dma_start3A_409] : memref<1000000x32xf32, #tpu.memory_space<hbm>> -> memref<1000000x32xf32, #tpu.memory_space<hbm>>
    tpu.enqueue_indirect_dma source(%dma_start3A_410 : memref<1000000x32xf32, #tpu.memory_space<hbm>>) target(%arg7 : memref<1024x32xf32, #tpu.memory_space<vmem>>) offsets(%dma_start3A_407 : memref<1024xi32, #tpu.memory_space<vmem>>) semaphore(%arg9 : memref<!tpu.dma_semaphore, #tpu.memory_space<semaphore_mem>>)
    %dma_wait3A_411 = arith.constant 20480 : i32
    %dma_wait3A_412 = tpu.memref_slice %arg5[%dma_wait3A_411] : memref<32768xi32, #tpu.memory_space<vmem>> -> memref<1024xi32, #tpu.memory_space<vmem>>
    %dma_wait3A_413 = arith.constant 0 : i32
    %dma_wait3A_414 = arith.constant 0 : i32
    %dma_wait3A_415 = tpu.memref_slice %arg2[%dma_wait3A_413, %dma_wait3A_414] : memref<1000000x32xf32, #tpu.memory_space<hbm>> -> memref<1000000x32xf32, #tpu.memory_space<hbm>>
    tpu.wait_indirect_dma semaphore(%arg8 : memref<!tpu.dma_semaphore, #tpu.memory_space<semaphore_mem>>) src(%dma_wait3A_415 : memref<1000000x32xf32, #tpu.memory_space<hbm>>) dst(%arg6 : memref<1024x32xf32, #tpu.memory_space<vmem>>)
    %add3A_416 = arith.constant 20480 : i32
    %add3A_417 = arith.addi %mul3A_2, %add3A_416 : i32
    %dma_start3A_418 = arith.constant 0 : i32
    %dma_start3A_419 = tpu.memref_slice %arg4[%add3A_417, %dma_start3A_418] : memref<1048576x128xf32, #tpu.memory_space<hbm>> -> memref<1024x32xf32, #tpu.memory_space<hbm>>
    %dma_start3A_420 = arith.constant 0 : i32
    %dma_start3A_421 = tpu.memref_slice %arg4[%add3A_417, %dma_start3A_420] : memref<1048576x128xf32, #tpu.memory_space<hbm>> -> memref<1024x32xf32, #tpu.memory_space<hbm>>
    tpu.enqueue_dma source(%arg6 : memref<1024x32xf32, #tpu.memory_space<vmem>>) target(%dma_start3A_421 : memref<1024x32xf32, #tpu.memory_space<hbm>>) target_semaphore(%arg10 : memref<!tpu.dma_semaphore, #tpu.memory_space<semaphore_mem>>)
    %dma_wait3A_422 = arith.constant 0 : i32
    %dma_wait3A_423 = tpu.memref_slice %arg4[%add3A_417, %dma_wait3A_422] : memref<1048576x128xf32, #tpu.memory_space<hbm>> -> memref<1024x32xf32, #tpu.memory_space<hbm>>
    %dma_wait3A_424 = arith.constant 0 : i32
    %dma_wait3A_425 = tpu.memref_slice %arg4[%add3A_417, %dma_wait3A_424] : memref<1048576x128xf32, #tpu.memory_space<hbm>> -> memref<1024x32xf32, #tpu.memory_space<hbm>>
    tpu.wait_dma2 semaphore(%arg10 : memref<!tpu.dma_semaphore, #tpu.memory_space<semaphore_mem>>) src(%arg6 : memref<1024x32xf32, #tpu.memory_space<vmem>>) dst(%dma_wait3A_425 : memref<1024x32xf32, #tpu.memory_space<hbm>>)
    %dma_start3A_426 = arith.constant 22528 : i32
    %dma_start3A_427 = tpu.memref_slice %arg5[%dma_start3A_426] : memref<32768xi32, #tpu.memory_space<vmem>> -> memref<1024xi32, #tpu.memory_space<vmem>>
    %dma_start3A_428 = arith.constant 0 : i32
    %dma_start3A_429 = arith.constant 0 : i32
    %dma_start3A_430 = tpu.memref_slice %arg2[%dma_start3A_428, %dma_start3A_429] : memref<1000000x32xf32, #tpu.memory_space<hbm>> -> memref<1000000x32xf32, #tpu.memory_space<hbm>>
    tpu.enqueue_indirect_dma source(%dma_start3A_430 : memref<1000000x32xf32, #tpu.memory_space<hbm>>) target(%arg6 : memref<1024x32xf32, #tpu.memory_space<vmem>>) offsets(%dma_start3A_427 : memref<1024xi32, #tpu.memory_space<vmem>>) semaphore(%arg8 : memref<!tpu.dma_semaphore, #tpu.memory_space<semaphore_mem>>)
    %dma_wait3A_431 = arith.constant 21504 : i32
    %dma_wait3A_432 = tpu.memref_slice %arg5[%dma_wait3A_431] : memref<32768xi32, #tpu.memory_space<vmem>> -> memref<1024xi32, #tpu.memory_space<vmem>>
    %dma_wait3A_433 = arith.constant 0 : i32
    %dma_wait3A_434 = arith.constant 0 : i32
    %dma_wait3A_435 = tpu.memref_slice %arg2[%dma_wait3A_433, %dma_wait3A_434] : memref<1000000x32xf32, #tpu.memory_space<hbm>> -> memref<1000000x32xf32, #tpu.memory_space<hbm>>
    tpu.wait_indirect_dma semaphore(%arg9 : memref<!tpu.dma_semaphore, #tpu.memory_space<semaphore_mem>>) src(%dma_wait3A_435 : memref<1000000x32xf32, #tpu.memory_space<hbm>>) dst(%arg7 : memref<1024x32xf32, #tpu.memory_space<vmem>>)
    %add3A_436 = arith.constant 21504 : i32
    %add3A_437 = arith.addi %mul3A_2, %add3A_436 : i32
    %dma_start3A_438 = arith.constant 0 : i32
    %dma_start3A_439 = tpu.memref_slice %arg4[%add3A_437, %dma_start3A_438] : memref<1048576x128xf32, #tpu.memory_space<hbm>> -> memref<1024x32xf32, #tpu.memory_space<hbm>>
    %dma_start3A_440 = arith.constant 0 : i32
    %dma_start3A_441 = tpu.memref_slice %arg4[%add3A_437, %dma_start3A_440] : memref<1048576x128xf32, #tpu.memory_space<hbm>> -> memref<1024x32xf32, #tpu.memory_space<hbm>>
    tpu.enqueue_dma source(%arg7 : memref<1024x32xf32, #tpu.memory_space<vmem>>) target(%dma_start3A_441 : memref<1024x32xf32, #tpu.memory_space<hbm>>) target_semaphore(%arg11 : memref<!tpu.dma_semaphore, #tpu.memory_space<semaphore_mem>>)
    %dma_wait3A_442 = arith.constant 0 : i32
    %dma_wait3A_443 = tpu.memref_slice %arg4[%add3A_437, %dma_wait3A_442] : memref<1048576x128xf32, #tpu.memory_space<hbm>> -> memref<1024x32xf32, #tpu.memory_space<hbm>>
    %dma_wait3A_444 = arith.constant 0 : i32
    %dma_wait3A_445 = tpu.memref_slice %arg4[%add3A_437, %dma_wait3A_444] : memref<1048576x128xf32, #tpu.memory_space<hbm>> -> memref<1024x32xf32, #tpu.memory_space<hbm>>
    tpu.wait_dma2 semaphore(%arg11 : memref<!tpu.dma_semaphore, #tpu.memory_space<semaphore_mem>>) src(%arg7 : memref<1024x32xf32, #tpu.memory_space<vmem>>) dst(%dma_wait3A_445 : memref<1024x32xf32, #tpu.memory_space<hbm>>)
    %dma_start3A_446 = arith.constant 23552 : i32
    %dma_start3A_447 = tpu.memref_slice %arg5[%dma_start3A_446] : memref<32768xi32, #tpu.memory_space<vmem>> -> memref<1024xi32, #tpu.memory_space<vmem>>
    %dma_start3A_448 = arith.constant 0 : i32
    %dma_start3A_449 = arith.constant 0 : i32
    %dma_start3A_450 = tpu.memref_slice %arg2[%dma_start3A_448, %dma_start3A_449] : memref<1000000x32xf32, #tpu.memory_space<hbm>> -> memref<1000000x32xf32, #tpu.memory_space<hbm>>
    tpu.enqueue_indirect_dma source(%dma_start3A_450 : memref<1000000x32xf32, #tpu.memory_space<hbm>>) target(%arg7 : memref<1024x32xf32, #tpu.memory_space<vmem>>) offsets(%dma_start3A_447 : memref<1024xi32, #tpu.memory_space<vmem>>) semaphore(%arg9 : memref<!tpu.dma_semaphore, #tpu.memory_space<semaphore_mem>>)
    %dma_wait3A_451 = arith.constant 22528 : i32
    %dma_wait3A_452 = tpu.memref_slice %arg5[%dma_wait3A_451] : memref<32768xi32, #tpu.memory_space<vmem>> -> memref<1024xi32, #tpu.memory_space<vmem>>
    %dma_wait3A_453 = arith.constant 0 : i32
    %dma_wait3A_454 = arith.constant 0 : i32
    %dma_wait3A_455 = tpu.memref_slice %arg2[%dma_wait3A_453, %dma_wait3A_454] : memref<1000000x32xf32, #tpu.memory_space<hbm>> -> memref<1000000x32xf32, #tpu.memory_space<hbm>>
    tpu.wait_indirect_dma semaphore(%arg8 : memref<!tpu.dma_semaphore, #tpu.memory_space<semaphore_mem>>) src(%dma_wait3A_455 : memref<1000000x32xf32, #tpu.memory_space<hbm>>) dst(%arg6 : memref<1024x32xf32, #tpu.memory_space<vmem>>)
    %add3A_456 = arith.constant 22528 : i32
    %add3A_457 = arith.addi %mul3A_2, %add3A_456 : i32
    %dma_start3A_458 = arith.constant 0 : i32
    %dma_start3A_459 = tpu.memref_slice %arg4[%add3A_457, %dma_start3A_458] : memref<1048576x128xf32, #tpu.memory_space<hbm>> -> memref<1024x32xf32, #tpu.memory_space<hbm>>
    %dma_start3A_460 = arith.constant 0 : i32
    %dma_start3A_461 = tpu.memref_slice %arg4[%add3A_457, %dma_start3A_460] : memref<1048576x128xf32, #tpu.memory_space<hbm>> -> memref<1024x32xf32, #tpu.memory_space<hbm>>
    tpu.enqueue_dma source(%arg6 : memref<1024x32xf32, #tpu.memory_space<vmem>>) target(%dma_start3A_461 : memref<1024x32xf32, #tpu.memory_space<hbm>>) target_semaphore(%arg10 : memref<!tpu.dma_semaphore, #tpu.memory_space<semaphore_mem>>)
    %dma_wait3A_462 = arith.constant 0 : i32
    %dma_wait3A_463 = tpu.memref_slice %arg4[%add3A_457, %dma_wait3A_462] : memref<1048576x128xf32, #tpu.memory_space<hbm>> -> memref<1024x32xf32, #tpu.memory_space<hbm>>
    %dma_wait3A_464 = arith.constant 0 : i32
    %dma_wait3A_465 = tpu.memref_slice %arg4[%add3A_457, %dma_wait3A_464] : memref<1048576x128xf32, #tpu.memory_space<hbm>> -> memref<1024x32xf32, #tpu.memory_space<hbm>>
    tpu.wait_dma2 semaphore(%arg10 : memref<!tpu.dma_semaphore, #tpu.memory_space<semaphore_mem>>) src(%arg6 : memref<1024x32xf32, #tpu.memory_space<vmem>>) dst(%dma_wait3A_465 : memref<1024x32xf32, #tpu.memory_space<hbm>>)
    %dma_start3A_466 = arith.constant 24576 : i32
    %dma_start3A_467 = tpu.memref_slice %arg5[%dma_start3A_466] : memref<32768xi32, #tpu.memory_space<vmem>> -> memref<1024xi32, #tpu.memory_space<vmem>>
    %dma_start3A_468 = arith.constant 0 : i32
    %dma_start3A_469 = arith.constant 0 : i32
    %dma_start3A_470 = tpu.memref_slice %arg2[%dma_start3A_468, %dma_start3A_469] : memref<1000000x32xf32, #tpu.memory_space<hbm>> -> memref<1000000x32xf32, #tpu.memory_space<hbm>>
    tpu.enqueue_indirect_dma source(%dma_start3A_470 : memref<1000000x32xf32, #tpu.memory_space<hbm>>) target(%arg6 : memref<1024x32xf32, #tpu.memory_space<vmem>>) offsets(%dma_start3A_467 : memref<1024xi32, #tpu.memory_space<vmem>>) semaphore(%arg8 : memref<!tpu.dma_semaphore, #tpu.memory_space<semaphore_mem>>)
    %dma_wait3A_471 = arith.constant 23552 : i32
    %dma_wait3A_472 = tpu.memref_slice %arg5[%dma_wait3A_471] : memref<32768xi32, #tpu.memory_space<vmem>> -> memref<1024xi32, #tpu.memory_space<vmem>>
    %dma_wait3A_473 = arith.constant 0 : i32
    %dma_wait3A_474 = arith.constant 0 : i32
    %dma_wait3A_475 = tpu.memref_slice %arg2[%dma_wait3A_473, %dma_wait3A_474] : memref<1000000x32xf32, #tpu.memory_space<hbm>> -> memref<1000000x32xf32, #tpu.memory_space<hbm>>
    tpu.wait_indirect_dma semaphore(%arg9 : memref<!tpu.dma_semaphore, #tpu.memory_space<semaphore_mem>>) src(%dma_wait3A_475 : memref<1000000x32xf32, #tpu.memory_space<hbm>>) dst(%arg7 : memref<1024x32xf32, #tpu.memory_space<vmem>>)
    %add3A_476 = arith.constant 23552 : i32
    %add3A_477 = arith.addi %mul3A_2, %add3A_476 : i32
    %dma_start3A_478 = arith.constant 0 : i32
    %dma_start3A_479 = tpu.memref_slice %arg4[%add3A_477, %dma_start3A_478] : memref<1048576x128xf32, #tpu.memory_space<hbm>> -> memref<1024x32xf32, #tpu.memory_space<hbm>>
    %dma_start3A_480 = arith.constant 0 : i32
    %dma_start3A_481 = tpu.memref_slice %arg4[%add3A_477, %dma_start3A_480] : memref<1048576x128xf32, #tpu.memory_space<hbm>> -> memref<1024x32xf32, #tpu.memory_space<hbm>>
    tpu.enqueue_dma source(%arg7 : memref<1024x32xf32, #tpu.memory_space<vmem>>) target(%dma_start3A_481 : memref<1024x32xf32, #tpu.memory_space<hbm>>) target_semaphore(%arg11 : memref<!tpu.dma_semaphore, #tpu.memory_space<semaphore_mem>>)
    %dma_wait3A_482 = arith.constant 0 : i32
    %dma_wait3A_483 = tpu.memref_slice %arg4[%add3A_477, %dma_wait3A_482] : memref<1048576x128xf32, #tpu.memory_space<hbm>> -> memref<1024x32xf32, #tpu.memory_space<hbm>>
    %dma_wait3A_484 = arith.constant 0 : i32
    %dma_wait3A_485 = tpu.memref_slice %arg4[%add3A_477, %dma_wait3A_484] : memref<1048576x128xf32, #tpu.memory_space<hbm>> -> memref<1024x32xf32, #tpu.memory_space<hbm>>
    tpu.wait_dma2 semaphore(%arg11 : memref<!tpu.dma_semaphore, #tpu.memory_space<semaphore_mem>>) src(%arg7 : memref<1024x32xf32, #tpu.memory_space<vmem>>) dst(%dma_wait3A_485 : memref<1024x32xf32, #tpu.memory_space<hbm>>)
    %dma_start3A_486 = arith.constant 25600 : i32
    %dma_start3A_487 = tpu.memref_slice %arg5[%dma_start3A_486] : memref<32768xi32, #tpu.memory_space<vmem>> -> memref<1024xi32, #tpu.memory_space<vmem>>
    %dma_start3A_488 = arith.constant 0 : i32
    %dma_start3A_489 = arith.constant 0 : i32
    %dma_start3A_490 = tpu.memref_slice %arg2[%dma_start3A_488, %dma_start3A_489] : memref<1000000x32xf32, #tpu.memory_space<hbm>> -> memref<1000000x32xf32, #tpu.memory_space<hbm>>
    tpu.enqueue_indirect_dma source(%dma_start3A_490 : memref<1000000x32xf32, #tpu.memory_space<hbm>>) target(%arg7 : memref<1024x32xf32, #tpu.memory_space<vmem>>) offsets(%dma_start3A_487 : memref<1024xi32, #tpu.memory_space<vmem>>) semaphore(%arg9 : memref<!tpu.dma_semaphore, #tpu.memory_space<semaphore_mem>>)
    %dma_wait3A_491 = arith.constant 24576 : i32
    %dma_wait3A_492 = tpu.memref_slice %arg5[%dma_wait3A_491] : memref<32768xi32, #tpu.memory_space<vmem>> -> memref<1024xi32, #tpu.memory_space<vmem>>
    %dma_wait3A_493 = arith.constant 0 : i32
    %dma_wait3A_494 = arith.constant 0 : i32
    %dma_wait3A_495 = tpu.memref_slice %arg2[%dma_wait3A_493, %dma_wait3A_494] : memref<1000000x32xf32, #tpu.memory_space<hbm>> -> memref<1000000x32xf32, #tpu.memory_space<hbm>>
    tpu.wait_indirect_dma semaphore(%arg8 : memref<!tpu.dma_semaphore, #tpu.memory_space<semaphore_mem>>) src(%dma_wait3A_495 : memref<1000000x32xf32, #tpu.memory_space<hbm>>) dst(%arg6 : memref<1024x32xf32, #tpu.memory_space<vmem>>)
    %add3A_496 = arith.constant 24576 : i32
    %add3A_497 = arith.addi %mul3A_2, %add3A_496 : i32
    %dma_start3A_498 = arith.constant 0 : i32
    %dma_start3A_499 = tpu.memref_slice %arg4[%add3A_497, %dma_start3A_498] : memref<1048576x128xf32, #tpu.memory_space<hbm>> -> memref<1024x32xf32, #tpu.memory_space<hbm>>
    %dma_start3A_500 = arith.constant 0 : i32
    %dma_start3A_501 = tpu.memref_slice %arg4[%add3A_497, %dma_start3A_500] : memref<1048576x128xf32, #tpu.memory_space<hbm>> -> memref<1024x32xf32, #tpu.memory_space<hbm>>
    tpu.enqueue_dma source(%arg6 : memref<1024x32xf32, #tpu.memory_space<vmem>>) target(%dma_start3A_501 : memref<1024x32xf32, #tpu.memory_space<hbm>>) target_semaphore(%arg10 : memref<!tpu.dma_semaphore, #tpu.memory_space<semaphore_mem>>)
    %dma_wait3A_502 = arith.constant 0 : i32
    %dma_wait3A_503 = tpu.memref_slice %arg4[%add3A_497, %dma_wait3A_502] : memref<1048576x128xf32, #tpu.memory_space<hbm>> -> memref<1024x32xf32, #tpu.memory_space<hbm>>
    %dma_wait3A_504 = arith.constant 0 : i32
    %dma_wait3A_505 = tpu.memref_slice %arg4[%add3A_497, %dma_wait3A_504] : memref<1048576x128xf32, #tpu.memory_space<hbm>> -> memref<1024x32xf32, #tpu.memory_space<hbm>>
    tpu.wait_dma2 semaphore(%arg10 : memref<!tpu.dma_semaphore, #tpu.memory_space<semaphore_mem>>) src(%arg6 : memref<1024x32xf32, #tpu.memory_space<vmem>>) dst(%dma_wait3A_505 : memref<1024x32xf32, #tpu.memory_space<hbm>>)
    %dma_start3A_506 = arith.constant 26624 : i32
    %dma_start3A_507 = tpu.memref_slice %arg5[%dma_start3A_506] : memref<32768xi32, #tpu.memory_space<vmem>> -> memref<1024xi32, #tpu.memory_space<vmem>>
    %dma_start3A_508 = arith.constant 0 : i32
    %dma_start3A_509 = arith.constant 0 : i32
    %dma_start3A_510 = tpu.memref_slice %arg2[%dma_start3A_508, %dma_start3A_509] : memref<1000000x32xf32, #tpu.memory_space<hbm>> -> memref<1000000x32xf32, #tpu.memory_space<hbm>>
    tpu.enqueue_indirect_dma source(%dma_start3A_510 : memref<1000000x32xf32, #tpu.memory_space<hbm>>) target(%arg6 : memref<1024x32xf32, #tpu.memory_space<vmem>>) offsets(%dma_start3A_507 : memref<1024xi32, #tpu.memory_space<vmem>>) semaphore(%arg8 : memref<!tpu.dma_semaphore, #tpu.memory_space<semaphore_mem>>)
    %dma_wait3A_511 = arith.constant 25600 : i32
    %dma_wait3A_512 = tpu.memref_slice %arg5[%dma_wait3A_511] : memref<32768xi32, #tpu.memory_space<vmem>> -> memref<1024xi32, #tpu.memory_space<vmem>>
    %dma_wait3A_513 = arith.constant 0 : i32
    %dma_wait3A_514 = arith.constant 0 : i32
    %dma_wait3A_515 = tpu.memref_slice %arg2[%dma_wait3A_513, %dma_wait3A_514] : memref<1000000x32xf32, #tpu.memory_space<hbm>> -> memref<1000000x32xf32, #tpu.memory_space<hbm>>
    tpu.wait_indirect_dma semaphore(%arg9 : memref<!tpu.dma_semaphore, #tpu.memory_space<semaphore_mem>>) src(%dma_wait3A_515 : memref<1000000x32xf32, #tpu.memory_space<hbm>>) dst(%arg7 : memref<1024x32xf32, #tpu.memory_space<vmem>>)
    %add3A_516 = arith.constant 25600 : i32
    %add3A_517 = arith.addi %mul3A_2, %add3A_516 : i32
    %dma_start3A_518 = arith.constant 0 : i32
    %dma_start3A_519 = tpu.memref_slice %arg4[%add3A_517, %dma_start3A_518] : memref<1048576x128xf32, #tpu.memory_space<hbm>> -> memref<1024x32xf32, #tpu.memory_space<hbm>>
    %dma_start3A_520 = arith.constant 0 : i32
    %dma_start3A_521 = tpu.memref_slice %arg4[%add3A_517, %dma_start3A_520] : memref<1048576x128xf32, #tpu.memory_space<hbm>> -> memref<1024x32xf32, #tpu.memory_space<hbm>>
    tpu.enqueue_dma source(%arg7 : memref<1024x32xf32, #tpu.memory_space<vmem>>) target(%dma_start3A_521 : memref<1024x32xf32, #tpu.memory_space<hbm>>) target_semaphore(%arg11 : memref<!tpu.dma_semaphore, #tpu.memory_space<semaphore_mem>>)
    %dma_wait3A_522 = arith.constant 0 : i32
    %dma_wait3A_523 = tpu.memref_slice %arg4[%add3A_517, %dma_wait3A_522] : memref<1048576x128xf32, #tpu.memory_space<hbm>> -> memref<1024x32xf32, #tpu.memory_space<hbm>>
    %dma_wait3A_524 = arith.constant 0 : i32
    %dma_wait3A_525 = tpu.memref_slice %arg4[%add3A_517, %dma_wait3A_524] : memref<1048576x128xf32, #tpu.memory_space<hbm>> -> memref<1024x32xf32, #tpu.memory_space<hbm>>
    tpu.wait_dma2 semaphore(%arg11 : memref<!tpu.dma_semaphore, #tpu.memory_space<semaphore_mem>>) src(%arg7 : memref<1024x32xf32, #tpu.memory_space<vmem>>) dst(%dma_wait3A_525 : memref<1024x32xf32, #tpu.memory_space<hbm>>)
    %dma_start3A_526 = arith.constant 27648 : i32
    %dma_start3A_527 = tpu.memref_slice %arg5[%dma_start3A_526] : memref<32768xi32, #tpu.memory_space<vmem>> -> memref<1024xi32, #tpu.memory_space<vmem>>
    %dma_start3A_528 = arith.constant 0 : i32
    %dma_start3A_529 = arith.constant 0 : i32
    %dma_start3A_530 = tpu.memref_slice %arg2[%dma_start3A_528, %dma_start3A_529] : memref<1000000x32xf32, #tpu.memory_space<hbm>> -> memref<1000000x32xf32, #tpu.memory_space<hbm>>
    tpu.enqueue_indirect_dma source(%dma_start3A_530 : memref<1000000x32xf32, #tpu.memory_space<hbm>>) target(%arg7 : memref<1024x32xf32, #tpu.memory_space<vmem>>) offsets(%dma_start3A_527 : memref<1024xi32, #tpu.memory_space<vmem>>) semaphore(%arg9 : memref<!tpu.dma_semaphore, #tpu.memory_space<semaphore_mem>>)
    %dma_wait3A_531 = arith.constant 26624 : i32
    %dma_wait3A_532 = tpu.memref_slice %arg5[%dma_wait3A_531] : memref<32768xi32, #tpu.memory_space<vmem>> -> memref<1024xi32, #tpu.memory_space<vmem>>
    %dma_wait3A_533 = arith.constant 0 : i32
    %dma_wait3A_534 = arith.constant 0 : i32
    %dma_wait3A_535 = tpu.memref_slice %arg2[%dma_wait3A_533, %dma_wait3A_534] : memref<1000000x32xf32, #tpu.memory_space<hbm>> -> memref<1000000x32xf32, #tpu.memory_space<hbm>>
    tpu.wait_indirect_dma semaphore(%arg8 : memref<!tpu.dma_semaphore, #tpu.memory_space<semaphore_mem>>) src(%dma_wait3A_535 : memref<1000000x32xf32, #tpu.memory_space<hbm>>) dst(%arg6 : memref<1024x32xf32, #tpu.memory_space<vmem>>)
    %add3A_536 = arith.constant 26624 : i32
    %add3A_537 = arith.addi %mul3A_2, %add3A_536 : i32
    %dma_start3A_538 = arith.constant 0 : i32
    %dma_start3A_539 = tpu.memref_slice %arg4[%add3A_537, %dma_start3A_538] : memref<1048576x128xf32, #tpu.memory_space<hbm>> -> memref<1024x32xf32, #tpu.memory_space<hbm>>
    %dma_start3A_540 = arith.constant 0 : i32
    %dma_start3A_541 = tpu.memref_slice %arg4[%add3A_537, %dma_start3A_540] : memref<1048576x128xf32, #tpu.memory_space<hbm>> -> memref<1024x32xf32, #tpu.memory_space<hbm>>
    tpu.enqueue_dma source(%arg6 : memref<1024x32xf32, #tpu.memory_space<vmem>>) target(%dma_start3A_541 : memref<1024x32xf32, #tpu.memory_space<hbm>>) target_semaphore(%arg10 : memref<!tpu.dma_semaphore, #tpu.memory_space<semaphore_mem>>)
    %dma_wait3A_542 = arith.constant 0 : i32
    %dma_wait3A_543 = tpu.memref_slice %arg4[%add3A_537, %dma_wait3A_542] : memref<1048576x128xf32, #tpu.memory_space<hbm>> -> memref<1024x32xf32, #tpu.memory_space<hbm>>
    %dma_wait3A_544 = arith.constant 0 : i32
    %dma_wait3A_545 = tpu.memref_slice %arg4[%add3A_537, %dma_wait3A_544] : memref<1048576x128xf32, #tpu.memory_space<hbm>> -> memref<1024x32xf32, #tpu.memory_space<hbm>>
    tpu.wait_dma2 semaphore(%arg10 : memref<!tpu.dma_semaphore, #tpu.memory_space<semaphore_mem>>) src(%arg6 : memref<1024x32xf32, #tpu.memory_space<vmem>>) dst(%dma_wait3A_545 : memref<1024x32xf32, #tpu.memory_space<hbm>>)
    %dma_start3A_546 = arith.constant 28672 : i32
    %dma_start3A_547 = tpu.memref_slice %arg5[%dma_start3A_546] : memref<32768xi32, #tpu.memory_space<vmem>> -> memref<1024xi32, #tpu.memory_space<vmem>>
    %dma_start3A_548 = arith.constant 0 : i32
    %dma_start3A_549 = arith.constant 0 : i32
    %dma_start3A_550 = tpu.memref_slice %arg2[%dma_start3A_548, %dma_start3A_549] : memref<1000000x32xf32, #tpu.memory_space<hbm>> -> memref<1000000x32xf32, #tpu.memory_space<hbm>>
    tpu.enqueue_indirect_dma source(%dma_start3A_550 : memref<1000000x32xf32, #tpu.memory_space<hbm>>) target(%arg6 : memref<1024x32xf32, #tpu.memory_space<vmem>>) offsets(%dma_start3A_547 : memref<1024xi32, #tpu.memory_space<vmem>>) semaphore(%arg8 : memref<!tpu.dma_semaphore, #tpu.memory_space<semaphore_mem>>)
    %dma_wait3A_551 = arith.constant 27648 : i32
    %dma_wait3A_552 = tpu.memref_slice %arg5[%dma_wait3A_551] : memref<32768xi32, #tpu.memory_space<vmem>> -> memref<1024xi32, #tpu.memory_space<vmem>>
    %dma_wait3A_553 = arith.constant 0 : i32
    %dma_wait3A_554 = arith.constant 0 : i32
    %dma_wait3A_555 = tpu.memref_slice %arg2[%dma_wait3A_553, %dma_wait3A_554] : memref<1000000x32xf32, #tpu.memory_space<hbm>> -> memref<1000000x32xf32, #tpu.memory_space<hbm>>
    tpu.wait_indirect_dma semaphore(%arg9 : memref<!tpu.dma_semaphore, #tpu.memory_space<semaphore_mem>>) src(%dma_wait3A_555 : memref<1000000x32xf32, #tpu.memory_space<hbm>>) dst(%arg7 : memref<1024x32xf32, #tpu.memory_space<vmem>>)
    %add3A_556 = arith.constant 27648 : i32
    %add3A_557 = arith.addi %mul3A_2, %add3A_556 : i32
    %dma_start3A_558 = arith.constant 0 : i32
    %dma_start3A_559 = tpu.memref_slice %arg4[%add3A_557, %dma_start3A_558] : memref<1048576x128xf32, #tpu.memory_space<hbm>> -> memref<1024x32xf32, #tpu.memory_space<hbm>>
    %dma_start3A_560 = arith.constant 0 : i32
    %dma_start3A_561 = tpu.memref_slice %arg4[%add3A_557, %dma_start3A_560] : memref<1048576x128xf32, #tpu.memory_space<hbm>> -> memref<1024x32xf32, #tpu.memory_space<hbm>>
    tpu.enqueue_dma source(%arg7 : memref<1024x32xf32, #tpu.memory_space<vmem>>) target(%dma_start3A_561 : memref<1024x32xf32, #tpu.memory_space<hbm>>) target_semaphore(%arg11 : memref<!tpu.dma_semaphore, #tpu.memory_space<semaphore_mem>>)
    %dma_wait3A_562 = arith.constant 0 : i32
    %dma_wait3A_563 = tpu.memref_slice %arg4[%add3A_557, %dma_wait3A_562] : memref<1048576x128xf32, #tpu.memory_space<hbm>> -> memref<1024x32xf32, #tpu.memory_space<hbm>>
    %dma_wait3A_564 = arith.constant 0 : i32
    %dma_wait3A_565 = tpu.memref_slice %arg4[%add3A_557, %dma_wait3A_564] : memref<1048576x128xf32, #tpu.memory_space<hbm>> -> memref<1024x32xf32, #tpu.memory_space<hbm>>
    tpu.wait_dma2 semaphore(%arg11 : memref<!tpu.dma_semaphore, #tpu.memory_space<semaphore_mem>>) src(%arg7 : memref<1024x32xf32, #tpu.memory_space<vmem>>) dst(%dma_wait3A_565 : memref<1024x32xf32, #tpu.memory_space<hbm>>)
    %dma_start3A_566 = arith.constant 29696 : i32
    %dma_start3A_567 = tpu.memref_slice %arg5[%dma_start3A_566] : memref<32768xi32, #tpu.memory_space<vmem>> -> memref<1024xi32, #tpu.memory_space<vmem>>
    %dma_start3A_568 = arith.constant 0 : i32
    %dma_start3A_569 = arith.constant 0 : i32
    %dma_start3A_570 = tpu.memref_slice %arg2[%dma_start3A_568, %dma_start3A_569] : memref<1000000x32xf32, #tpu.memory_space<hbm>> -> memref<1000000x32xf32, #tpu.memory_space<hbm>>
    tpu.enqueue_indirect_dma source(%dma_start3A_570 : memref<1000000x32xf32, #tpu.memory_space<hbm>>) target(%arg7 : memref<1024x32xf32, #tpu.memory_space<vmem>>) offsets(%dma_start3A_567 : memref<1024xi32, #tpu.memory_space<vmem>>) semaphore(%arg9 : memref<!tpu.dma_semaphore, #tpu.memory_space<semaphore_mem>>)
    %dma_wait3A_571 = arith.constant 28672 : i32
    %dma_wait3A_572 = tpu.memref_slice %arg5[%dma_wait3A_571] : memref<32768xi32, #tpu.memory_space<vmem>> -> memref<1024xi32, #tpu.memory_space<vmem>>
    %dma_wait3A_573 = arith.constant 0 : i32
    %dma_wait3A_574 = arith.constant 0 : i32
    %dma_wait3A_575 = tpu.memref_slice %arg2[%dma_wait3A_573, %dma_wait3A_574] : memref<1000000x32xf32, #tpu.memory_space<hbm>> -> memref<1000000x32xf32, #tpu.memory_space<hbm>>
    tpu.wait_indirect_dma semaphore(%arg8 : memref<!tpu.dma_semaphore, #tpu.memory_space<semaphore_mem>>) src(%dma_wait3A_575 : memref<1000000x32xf32, #tpu.memory_space<hbm>>) dst(%arg6 : memref<1024x32xf32, #tpu.memory_space<vmem>>)
    %add3A_576 = arith.constant 28672 : i32
    %add3A_577 = arith.addi %mul3A_2, %add3A_576 : i32
    %dma_start3A_578 = arith.constant 0 : i32
    %dma_start3A_579 = tpu.memref_slice %arg4[%add3A_577, %dma_start3A_578] : memref<1048576x128xf32, #tpu.memory_space<hbm>> -> memref<1024x32xf32, #tpu.memory_space<hbm>>
    %dma_start3A_580 = arith.constant 0 : i32
    %dma_start3A_581 = tpu.memref_slice %arg4[%add3A_577, %dma_start3A_580] : memref<1048576x128xf32, #tpu.memory_space<hbm>> -> memref<1024x32xf32, #tpu.memory_space<hbm>>
    tpu.enqueue_dma source(%arg6 : memref<1024x32xf32, #tpu.memory_space<vmem>>) target(%dma_start3A_581 : memref<1024x32xf32, #tpu.memory_space<hbm>>) target_semaphore(%arg10 : memref<!tpu.dma_semaphore, #tpu.memory_space<semaphore_mem>>)
    %dma_wait3A_582 = arith.constant 0 : i32
    %dma_wait3A_583 = tpu.memref_slice %arg4[%add3A_577, %dma_wait3A_582] : memref<1048576x128xf32, #tpu.memory_space<hbm>> -> memref<1024x32xf32, #tpu.memory_space<hbm>>
    %dma_wait3A_584 = arith.constant 0 : i32
    %dma_wait3A_585 = tpu.memref_slice %arg4[%add3A_577, %dma_wait3A_584] : memref<1048576x128xf32, #tpu.memory_space<hbm>> -> memref<1024x32xf32, #tpu.memory_space<hbm>>
    tpu.wait_dma2 semaphore(%arg10 : memref<!tpu.dma_semaphore, #tpu.memory_space<semaphore_mem>>) src(%arg6 : memref<1024x32xf32, #tpu.memory_space<vmem>>) dst(%dma_wait3A_585 : memref<1024x32xf32, #tpu.memory_space<hbm>>)
    %dma_start3A_586 = arith.constant 30720 : i32
    %dma_start3A_587 = tpu.memref_slice %arg5[%dma_start3A_586] : memref<32768xi32, #tpu.memory_space<vmem>> -> memref<1024xi32, #tpu.memory_space<vmem>>
    %dma_start3A_588 = arith.constant 0 : i32
    %dma_start3A_589 = arith.constant 0 : i32
    %dma_start3A_590 = tpu.memref_slice %arg2[%dma_start3A_588, %dma_start3A_589] : memref<1000000x32xf32, #tpu.memory_space<hbm>> -> memref<1000000x32xf32, #tpu.memory_space<hbm>>
    tpu.enqueue_indirect_dma source(%dma_start3A_590 : memref<1000000x32xf32, #tpu.memory_space<hbm>>) target(%arg6 : memref<1024x32xf32, #tpu.memory_space<vmem>>) offsets(%dma_start3A_587 : memref<1024xi32, #tpu.memory_space<vmem>>) semaphore(%arg8 : memref<!tpu.dma_semaphore, #tpu.memory_space<semaphore_mem>>)
    %dma_wait3A_591 = arith.constant 29696 : i32
    %dma_wait3A_592 = tpu.memref_slice %arg5[%dma_wait3A_591] : memref<32768xi32, #tpu.memory_space<vmem>> -> memref<1024xi32, #tpu.memory_space<vmem>>
    %dma_wait3A_593 = arith.constant 0 : i32
    %dma_wait3A_594 = arith.constant 0 : i32
    %dma_wait3A_595 = tpu.memref_slice %arg2[%dma_wait3A_593, %dma_wait3A_594] : memref<1000000x32xf32, #tpu.memory_space<hbm>> -> memref<1000000x32xf32, #tpu.memory_space<hbm>>
    tpu.wait_indirect_dma semaphore(%arg9 : memref<!tpu.dma_semaphore, #tpu.memory_space<semaphore_mem>>) src(%dma_wait3A_595 : memref<1000000x32xf32, #tpu.memory_space<hbm>>) dst(%arg7 : memref<1024x32xf32, #tpu.memory_space<vmem>>)
    %add3A_596 = arith.constant 29696 : i32
    %add3A_597 = arith.addi %mul3A_2, %add3A_596 : i32
    %dma_start3A_598 = arith.constant 0 : i32
    %dma_start3A_599 = tpu.memref_slice %arg4[%add3A_597, %dma_start3A_598] : memref<1048576x128xf32, #tpu.memory_space<hbm>> -> memref<1024x32xf32, #tpu.memory_space<hbm>>
    %dma_start3A_600 = arith.constant 0 : i32
    %dma_start3A_601 = tpu.memref_slice %arg4[%add3A_597, %dma_start3A_600] : memref<1048576x128xf32, #tpu.memory_space<hbm>> -> memref<1024x32xf32, #tpu.memory_space<hbm>>
    tpu.enqueue_dma source(%arg7 : memref<1024x32xf32, #tpu.memory_space<vmem>>) target(%dma_start3A_601 : memref<1024x32xf32, #tpu.memory_space<hbm>>) target_semaphore(%arg11 : memref<!tpu.dma_semaphore, #tpu.memory_space<semaphore_mem>>)
    %dma_wait3A_602 = arith.constant 0 : i32
    %dma_wait3A_603 = tpu.memref_slice %arg4[%add3A_597, %dma_wait3A_602] : memref<1048576x128xf32, #tpu.memory_space<hbm>> -> memref<1024x32xf32, #tpu.memory_space<hbm>>
    %dma_wait3A_604 = arith.constant 0 : i32
    %dma_wait3A_605 = tpu.memref_slice %arg4[%add3A_597, %dma_wait3A_604] : memref<1048576x128xf32, #tpu.memory_space<hbm>> -> memref<1024x32xf32, #tpu.memory_space<hbm>>
    tpu.wait_dma2 semaphore(%arg11 : memref<!tpu.dma_semaphore, #tpu.memory_space<semaphore_mem>>) src(%arg7 : memref<1024x32xf32, #tpu.memory_space<vmem>>) dst(%dma_wait3A_605 : memref<1024x32xf32, #tpu.memory_space<hbm>>)
    %dma_start3A_606 = arith.constant 31744 : i32
    %dma_start3A_607 = tpu.memref_slice %arg5[%dma_start3A_606] : memref<32768xi32, #tpu.memory_space<vmem>> -> memref<1024xi32, #tpu.memory_space<vmem>>
    %dma_start3A_608 = arith.constant 0 : i32
    %dma_start3A_609 = arith.constant 0 : i32
    %dma_start3A_610 = tpu.memref_slice %arg2[%dma_start3A_608, %dma_start3A_609] : memref<1000000x32xf32, #tpu.memory_space<hbm>> -> memref<1000000x32xf32, #tpu.memory_space<hbm>>
    tpu.enqueue_indirect_dma source(%dma_start3A_610 : memref<1000000x32xf32, #tpu.memory_space<hbm>>) target(%arg7 : memref<1024x32xf32, #tpu.memory_space<vmem>>) offsets(%dma_start3A_607 : memref<1024xi32, #tpu.memory_space<vmem>>) semaphore(%arg9 : memref<!tpu.dma_semaphore, #tpu.memory_space<semaphore_mem>>)
    %dma_wait3A_611 = arith.constant 30720 : i32
    %dma_wait3A_612 = tpu.memref_slice %arg5[%dma_wait3A_611] : memref<32768xi32, #tpu.memory_space<vmem>> -> memref<1024xi32, #tpu.memory_space<vmem>>
    %dma_wait3A_613 = arith.constant 0 : i32
    %dma_wait3A_614 = arith.constant 0 : i32
    %dma_wait3A_615 = tpu.memref_slice %arg2[%dma_wait3A_613, %dma_wait3A_614] : memref<1000000x32xf32, #tpu.memory_space<hbm>> -> memref<1000000x32xf32, #tpu.memory_space<hbm>>
    tpu.wait_indirect_dma semaphore(%arg8 : memref<!tpu.dma_semaphore, #tpu.memory_space<semaphore_mem>>) src(%dma_wait3A_615 : memref<1000000x32xf32, #tpu.memory_space<hbm>>) dst(%arg6 : memref<1024x32xf32, #tpu.memory_space<vmem>>)
    %add3A_616 = arith.constant 30720 : i32
    %add3A_617 = arith.addi %mul3A_2, %add3A_616 : i32
    %dma_start3A_618 = arith.constant 0 : i32
    %dma_start3A_619 = tpu.memref_slice %arg4[%add3A_617, %dma_start3A_618] : memref<1048576x128xf32, #tpu.memory_space<hbm>> -> memref<1024x32xf32, #tpu.memory_space<hbm>>
    %dma_start3A_620 = arith.constant 0 : i32
    %dma_start3A_621 = tpu.memref_slice %arg4[%add3A_617, %dma_start3A_620] : memref<1048576x128xf32, #tpu.memory_space<hbm>> -> memref<1024x32xf32, #tpu.memory_space<hbm>>
    tpu.enqueue_dma source(%arg6 : memref<1024x32xf32, #tpu.memory_space<vmem>>) target(%dma_start3A_621 : memref<1024x32xf32, #tpu.memory_space<hbm>>) target_semaphore(%arg10 : memref<!tpu.dma_semaphore, #tpu.memory_space<semaphore_mem>>)
    %dma_wait3A_622 = arith.constant 31744 : i32
    %dma_wait3A_623 = tpu.memref_slice %arg5[%dma_wait3A_622] : memref<32768xi32, #tpu.memory_space<vmem>> -> memref<1024xi32, #tpu.memory_space<vmem>>
    %dma_wait3A_624 = arith.constant 0 : i32
    %dma_wait3A_625 = arith.constant 0 : i32
    %dma_wait3A_626 = tpu.memref_slice %arg2[%dma_wait3A_624, %dma_wait3A_625] : memref<1000000x32xf32, #tpu.memory_space<hbm>> -> memref<1000000x32xf32, #tpu.memory_space<hbm>>
    tpu.wait_indirect_dma semaphore(%arg9 : memref<!tpu.dma_semaphore, #tpu.memory_space<semaphore_mem>>) src(%dma_wait3A_626 : memref<1000000x32xf32, #tpu.memory_space<hbm>>) dst(%arg7 : memref<1024x32xf32, #tpu.memory_space<vmem>>)
    %add3A_627 = arith.constant 31744 : i32
    %add3A_628 = arith.addi %mul3A_2, %add3A_627 : i32
    %dma_start3A_629 = arith.constant 0 : i32
    %dma_start3A_630 = tpu.memref_slice %arg4[%add3A_628, %dma_start3A_629] : memref<1048576x128xf32, #tpu.memory_space<hbm>> -> memref<1024x32xf32, #tpu.memory_space<hbm>>
    %dma_start3A_631 = arith.constant 0 : i32
    %dma_start3A_632 = tpu.memref_slice %arg4[%add3A_628, %dma_start3A_631] : memref<1048576x128xf32, #tpu.memory_space<hbm>> -> memref<1024x32xf32, #tpu.memory_space<hbm>>
    tpu.enqueue_dma source(%arg7 : memref<1024x32xf32, #tpu.memory_space<vmem>>) target(%dma_start3A_632 : memref<1024x32xf32, #tpu.memory_space<hbm>>) target_semaphore(%arg11 : memref<!tpu.dma_semaphore, #tpu.memory_space<semaphore_mem>>)
    %dma_wait3A_633 = arith.constant 0 : i32
    %dma_wait3A_634 = tpu.memref_slice %arg4[%add3A_617, %dma_wait3A_633] : memref<1048576x128xf32, #tpu.memory_space<hbm>> -> memref<1024x32xf32, #tpu.memory_space<hbm>>
    %dma_wait3A_635 = arith.constant 0 : i32
    %dma_wait3A_636 = tpu.memref_slice %arg4[%add3A_617, %dma_wait3A_635] : memref<1048576x128xf32, #tpu.memory_space<hbm>> -> memref<1024x32xf32, #tpu.memory_space<hbm>>
    tpu.wait_dma2 semaphore(%arg10 : memref<!tpu.dma_semaphore, #tpu.memory_space<semaphore_mem>>) src(%arg6 : memref<1024x32xf32, #tpu.memory_space<vmem>>) dst(%dma_wait3A_636 : memref<1024x32xf32, #tpu.memory_space<hbm>>)
    %dma_wait3A_637 = arith.constant 0 : i32
    %dma_wait3A_638 = tpu.memref_slice %arg4[%add3A_628, %dma_wait3A_637] : memref<1048576x128xf32, #tpu.memory_space<hbm>> -> memref<1024x32xf32, #tpu.memory_space<hbm>>
    %dma_wait3A_639 = arith.constant 0 : i32
    %dma_wait3A_640 = tpu.memref_slice %arg4[%add3A_628, %dma_wait3A_639] : memref<1048576x128xf32, #tpu.memory_space<hbm>> -> memref<1024x32xf32, #tpu.memory_space<hbm>>
    tpu.wait_dma2 semaphore(%arg11 : memref<!tpu.dma_semaphore, #tpu.memory_space<semaphore_mem>>) src(%arg7 : memref<1024x32xf32, #tpu.memory_space<vmem>>) dst(%dma_wait3A_640 : memref<1024x32xf32, #tpu.memory_space<hbm>>)
    return
  }
}

</mosaic_0001>

<sc_bundles>
// kernel: kernel.3.cloned.1.call-start
scs
__scs_entry_jumppad:
0x0: {  	(pc) =	sbr.rel $0x88, $3  }
0x1: {  	(tag) =	ssettag $0x0;
	lr =	simm.s32 $0x1  }
0x2: {  	[smem:$0x3F9F] =	sst lr;
	_ =	strace $0xD0000000  }
0x3: {  	_ = 	snop  }
0x4: {  	_ = 	snop  }
0x5: {  	_ = 	snop  }
0x6: {  	_ = 	snop  }
0x7: {  	_ = 	snop  }
__scs_overlays_trampoline_lowered:
0x8: {  	[smem:$0x3FAE] =	sst s0  }
0x9: {  	[smem:$0x3FAF] =	sst s1  }
0xa: {  	[smem:$0x3FB0] =	sst s2  }
0xb: {  	[smem:$0x3FB1] =	sst s3  }
0xc: {  	[smem:$0x3FB2] =	sst s4  }
0xd: {  	[smem:$0x3FB3] =	sst s5  }
0xe: {  	[smem:$0x3FB4] =	sst s6  }
0xf: {  	[smem:$0x3FB5] =	sst s7  }
0x10: {  	[smem:$0x3FB6] =	sst s8  }
0x11: {  	[smem:$0x3FB7] =	sst s9;
	s0 =	simm.s32 @!p0 $0x0  }
0x12: {  	s1 =	sld [smem:$0x3F9D];
	s0 =	simm.s32 @p0 $0x1  }
0x13: {  	[smem:$0x3FB8] =	sst s0;
	s0 =	simm.s32 @!p1 $0x0  }
0x14: {  	s2 =	sld [smem:$0x3F9C];
	s0 =	simm.s32 @p1 $0x1  }
0x15: {  	[smem:$0x3FB9] =	sst s0;
	s0 =	simm.s32 @!p2 $0x0  }
0x16: {  	s3 =	sld [smem:$0x3FDB];
	s0 =	simm.s32 @p2 $0x1  }
0x17: {  	s4 =	simm.s32 $0x1BF5;
	[smem:$0x3FBB] =	sst s0  }
0x18: {  	s0 =	sld [smem:$0x3F9E];
	_ =	swait.ge [sflag:s4], $0x0  }
0x19: {  	s7 =	sld [smem:$0x3F9F]  }
0x1a: {  	s8 =	sadd.s32 $0xFFFFE003, lr  }
0x1b: {  	s9 =	sadd.s32 $0xFFFFFEF7, lr;
	s5 =	simm.s32 $0xFFFFFFFF;
	p2 =	slt.u32 s8, $0xFFFFF086  }
0x1c: {  	p1 =	slt.u32 s9, $0xF7A;
	s5 =	simm.s32 @!p2 $0x0  }
0x1d: {  	s5 =	simm.s32 @p1 $0x1;
	p0 =	seq.s32 s7, s2  }
0x1e: {  	s7 =	smul.u32 @!p0 $0xF7A, s2;
	p2 =	seq.s32 @!p0 s5, $0x0  }
0x1f: {  	s9 =	smul.u32 $0xF7A, s1;
	s8 =	simm.s32 @!p0 $0x1BF5;
	p2 =	por !p2, p0  }
0x20: {  	[sflag:s8] =	ssyncset.s32 @!p0 $0xFFFFF086;
	s6 =	sadd.s32 @!p0 s3, s7;
	s7 =	simm.s32 @!p0 $0x108  }
0x21: {  	s3 =	sadd.s32 s3, s9;
	s6 =	sadd.s32 @!p0 $0x88, s6;
	s7 =	simm.s32 @p2 $0x1082  }
0x22: {  	[simem:s7], [sflag:s8] =	dma.local @!p0 [hbm:s6], $0xF7A  }
0x23: {  	s9 =	sor.u32 $0xD0000000, s2;
	s6 =	simm.s32 $0x108;
	_ =	swait.ge @!p0 [sflag:s8], $0x0  }
0x24: {  	s3 =	sadd.s32 $0x88, s3;
	s6 =	simm.s32 @!p1 $0x1082;
	[sflag:s4] =	ssyncset.s32 $0xFFFFF086  }
0x25: {  	[simem:s6], [sflag:s4] =	dma.local [hbm:s3], $0xF7A  }
0x26: {  	[smem:$0x3F9F] =	sst s1;
	(tag) =	ssettag s2;
	_ =	strace s9  }
0x27: {  	s1 =	sld [smem:$0x3FAF]  }
0x28: {  	s2 =	sld [smem:$0x3FB0]  }
0x29: {  	s4 =	sld [smem:$0x3FB2]  }
0x2a: {  	p0 =	seq.s32 s5, $0x0;
	s5 =	sld [smem:$0x3FB3]  }
0x2b: {  	s6 =	sld [smem:$0x3FB4]  }
0x2c: {  	s7 =	sld [smem:$0x3FB5]  }
0x2d: {  	s3 =	simm.s32 $0x108;
	s8 =	sld [smem:$0x3FB6]  }
0x2e: {  	s3 =	simm.s32 @!p0 $0x1082;
	s9 =	sld [smem:$0x3FB7]  }
0x2f: {  	lr =	sadd.s32 s0, s3;
	s0 =	sld [smem:$0x3FAE]  }
0x30: {  	s3 =	sld [smem:$0x3FB1]  }
0x31: {  	[smem:$0x3FBA] =	sst s10  }
0x32: {  	s10 =	sld [smem:$0x3FB8];
	_ =	sdelay $0x3  }
0x33: {  	p0 =	seq.s32 s10, $0x1;
	s10 =	sld [smem:$0x3FBA];
	_ =	sdelay $0x3  }
0x34: {  	[smem:$0x3FBA] =	sst s10  }
0x35: {  	s10 =	sld [smem:$0x3FB9];
	_ =	sdelay $0x3  }
0x36: {  	p1 =	seq.s32 s10, $0x1;
	s10 =	sld [smem:$0x3FBA];
	_ =	sdelay $0x3  }
0x37: {  	[smem:$0x3FBA] =	sst s10  }
0x38: {  	s10 =	sld [smem:$0x3FBB]  }
0x39: {  	_ = 	snop;
	(pc) =	sbr.ind lr, $3  }
0x3a: {  	_ = 	snop  }
0x3b: {  	_ = 	snop  }
0x3c: {  	p2 =	seq.s32 s10, $0x1;
	s10 =	sld [smem:$0x3FBA]  }
0x3d: {  	_ =	shalt  }
0x3e: {  	_ =	shalt  }
0x3f: {  	_ =	shalt  }
0x40: {  	_ =	shalt  }
0x41: {  	_ =	shalt  }
0x42: {  	_ =	shalt  }
0x43: {  	_ =	shalt  }
0x44: {  	_ =	shalt  }
0x45: {  	_ =	shalt  }
0x46: {  	_ =	shalt  }
0x47: {  	_ =	shalt  }
0x48: {  	_ =	shalt  }
0x49: {  	_ =	shalt  }
0x4a: {  	_ =	shalt  }
0x4b: {  	_ =	shalt  }
0x4c: {  	_ =	shalt  }
0x4d: {  	_ =	shalt  }
0x4e: {  	_ =	shalt  }
0x4f: {  	_ =	shalt  }
0x50: {  	_ =	shalt  }
0x51: {  	_ =	shalt  }
0x52: {  	_ =	shalt  }
0x53: {  	_ =	shalt  }
0x54: {  	_ =	shalt  }
0x55: {  	_ =	shalt  }
0x56: {  	_ =	shalt  }
0x57: {  	_ =	shalt  }
0x58: {  	_ =	shalt  }
0x59: {  	_ =	shalt  }
0x5a: {  	_ =	shalt  }
0x5b: {  	_ =	shalt  }
0x5c: {  	_ =	shalt  }
0x5d: {  	_ =	shalt  }
0x5e: {  	_ =	shalt  }
0x5f: {  	_ =	shalt  }
0x60: {  	_ =	shalt  }
0x61: {  	_ =	shalt  }
0x62: {  	_ =	shalt  }
0x63: {  	_ =	shalt  }
0x64: {  	_ =	shalt  }
0x65: {  	_ =	shalt  }
0x66: {  	_ =	shalt  }
0x67: {  	_ =	shalt  }
0x68: {  	_ =	shalt  }
0x69: {  	_ =	shalt  }
0x6a: {  	_ =	shalt  }
0x6b: {  	_ =	shalt  }
0x6c: {  	_ =	shalt  }
0x6d: {  	_ =	shalt  }
0x6e: {  	_ =	shalt  }
0x6f: {  	_ =	shalt  }
0x70: {  	_ =	shalt  }
0x71: {  	_ =	shalt  }
0x72: {  	_ =	shalt  }
0x73: {  	_ =	shalt  }
0x74: {  	_ =	shalt  }
0x75: {  	_ =	shalt  }
0x76: {  	_ =	shalt  }
0x77: {  	_ =	shalt  }
0x78: {  	_ =	shalt  }
0x79: {  	_ =	shalt  }
0x7a: {  	_ =	shalt  }
0x7b: {  	_ =	shalt  }
0x7c: {  	_ =	shalt  }
0x7d: {  	_ =	shalt  }
0x7e: {  	_ =	shalt  }
0x7f: {  	_ =	shalt  }
0x80: {  	_ =	shalt  }
0x81: {  	_ =	shalt  }
0x82: {  	_ =	shalt  }
0x83: {  	_ =	shalt  }
0x84: {  	_ =	shalt  }
0x85: {  	_ =	shalt  }
0x86: {  	_ =	shalt  }
0x87: {  	_ =	shalt  }
.Lfunc_end0:
.L_simem_size_0:
called_computation.1_lowered:
.L_overlay_start_0:
0x88: {  	s2 =	sld [smem:$0x3FD9]  }
0x89: {  	s3 =	sld [smem:$0x3FFE];
	_ =	sdelay $0x1  }
0x8a: {  	s1 =	srdreg.scid  }
0x8b: {  	s0 =	sand.u32 $0x1, s1  }
0x8c: {  	s17 =	sshll.u32 s0, $0xA;
	s2 =	sadd.s32 s3, s2  }
0x8d: {  	s2 =	sadd.s32 s2, s17  }
0x8e: {  	[smem:$0x3FC6] =	sst s2  }
0x8f: {  	_ = 	snop  }
0x90: {  	s2 =	sld [smem:$0x3FC8]  }
0x91: {  	s18 =	sld [smem:$0x3FD0];
	(tm) =	ssettm $0x1  }
0x92: {  	s4 =	sld [smem:$0x3FFB];
	_ =	sdelay $0x3  }
0x93: {  	_ =	strace s4  }
0x94: {  	s4 =	sld [smem:$0x3FFC];
	_ =	sdelay $0x3  }
0x95: {  	_ =	strace s4  }
0x96: {  	s4 =	sld [smem:$0x3FFD];
	_ =	sdelay $0x3  }
0x97: {  	_ =	strace s4  }
0x98: {  	_ =	strace $0x8FFFFFFF  }
0x99: {  	s19 =	sld [smem:$0x3FDB];
	_ =	sdelay $0x1  }
0x9a: {  	s5 =	simm.s32 $_scs_section_size  }
0x9b: {  	s6 =	simm.s32 $_size__tile_overlayer_lowered;
	s7 =	simm.s32 $_tile_overlayer_lowered  }
0x9c: {  	s22 =	simm.s32 $0x1BFF;
	s21 =	sshll.u32 s7, $0x1;
	s4 =	sadd.s32 s5, s19  }
0x9d: {  	s8 =	simm.s32 $0x0;
	s20 =	sshll.u32 s6, $0x1;
	s6 =	sadd.s32 s21, s4  }
0x9e: {  	[timem:s8], [sflag:s22] =	dma.local [hbm:s6], s20  }
0x9f: {  	_ =	swait.ge [sflag:s22], s20  }
0xa0: {  	s5 =	ssub.s32 $0x0, s20;
	[sflag:s22] =	ssyncset.done $0x0  }
0xa1: {  	[sflag:s22] =	ssyncadd.s32 s5;
	_ =	sdelay $0x1  }
0xa2: {  	s23 =	simm.s32 $0x1B8B  }
0xa3: {  	_ =	swait.ge [sflag:s23], $0x1  }
0xa4: {  	[sflag:s23] =	ssyncset.done $0x0  }
0xa5: {  	s25 =	simm.s32 $0x1B8E;
	s24 =	sld [smem:$0x3FFE];
	[sflag:s23] =	ssyncadd.s32 $0xFFFFFFFF  }
0xa6: {  	s26 =	simm.s32 $execute0_lowered;
	[smem:$0x3FD2] =	sst s25  }
0xa7: {  	s6 =	sshll.u32 s26, $0x1;
	_ =	strace $0x80000046;
	[dreg:$0x1] =	wrdreg $0xFFFFFFFF  }
0xa8: {  	s28 =	simm.s32 $_size_execute0_lowered;
	s4 =	sadd.s32 s4, s6;
	[dreg:$0x0] =	wrdreg $0x0  }
0xa9: {  	s6 =	sshll.u32 s28, $0x1;
	[dreg:$0x2] =	wrdreg s4  }
0xaa: {  	[dreg:$0x3] =	wrdreg s6  }
0xab: {  	[dreg:$0x4] =	wrdreg $0xC0  }
0xac: {  	_ =	task [dreg:s8], $0x5FFFF  }
0xad: {  	[dreg:$0x1] =	wrdreg $0xFFFFFFFF  }
0xae: {  	[dreg:$0x0] =	wrdreg $0x60  }
0xaf: {  	[dreg:$0x2] =	wrdreg s18  }
0xb0: {  	[dreg:$0x3] =	wrdreg s2  }
0xb1: {  	[dreg:$0x4] =	wrdreg s24  }
0xb2: {  	[dreg:$0x5] =	wrdreg $0x9  }
0xb3: {  	_ =	task.clear_ibuf [dreg:s8], $0x6FFFF;
	_ =	strace $0x90000046  }
0xb4: {  	s29 =	simm.s32 $0x9;
	_ =	strace $0x80000048  }
0xb5: {  	_ =	swait.ge [sflag:s29], $0x1  }
0xb6: {  	[sflag:s29] =	ssyncadd.s32 $0xFFFFFFFF  }
0xb7: {  	_ =	strace $0x90000048  }
0xb8: {  	_ =	sfence  }
0xb9: {  	s30 =	sld [smem:$0x0];
	_ =	sdelay $0x2  }
0xba: {  	s31 =	sshll.u32 s1, $0xD;
	s1 =	sshrl.u32 s1, $0x2  }
0xbb: {  	s3 =	sand.u32 $0x4000, s31;
	s1 =	sadd.s32 s1, s30  }
0xbc: {  	s0 =	sor.u32 s3, s0;
	s1 =	sshll.u32 s1, $0x11  }
0xbd: {  	s0 =	sor.u32 s1, s0  }
0xbe: {  	s0 =	sadd.s32 $0x8F2B, s0  }
0xbf: {  	[sflag:s0] =	ssyncadd.remote.s32 $0x1  }
0xc0: {  	_ =	sfence.sel $0xFFFF  }
0xc1: {  	[dreg:$0x0] =	wrdreg $0xFFFFFFFF;
	(pc) =	sbr.abs _section_cstart, $3  }
0xc2: {  	[dreg:$0x1] =	wrdreg $0xFFFFFFFF  }
0xc3: {  	_ =	task.clear_ibuf [dreg:s8], $0x2FFFF;
	_ =	strace $0x9FFFFFFF  }
0xc4: {  	(tm) =	ssettm $0x7FFFFFFF  }
0xc5: {  	_ =	shalt  }
tec
execute0_lowered:
.L_overlay_start_1:
0x0: {  	(tag) =	ssettag $0x1  }
0x1: {  	s0 =	srdreg.scid  }
0x2: {  	s2 =	rddreg [dreg:$0x0];
	s3 =	stileid.u32;
	s1 =	sand.u32 $0x1, s0  }
0x3: {  	s4 =	rddreg [dreg:$0x1];
	s3 =	sshll.u32 s3, $0x10;
	s5 =	sshll.u32 s1, $0xF  }
0x4: {  	s25 =	rddreg [dreg:$0x2];
	s3 =	sor.u32 s5, s3  }
0x5: {  	s30 =	simm.s32 $0x0;
	s5 =	sshll.u32 s3, $0x4;
	s6 =	sshrl.u32 s3, $0x3  }
0x6: {  	[smem:$0x7FF] =	sst s30;
	s3 =	sadd.s32 s5, s25;
	s26 =	sadd.s32 s4, s6  }
0x7: {  	_ =	strace $0x80000047;
	[dreg:$0x4] =	wrdreg s26;
	s4 =	sadd.s32 $0x800, s3  }
0x8: {  	s5 =	sadd.s32 $0x4800, s3;
	[dreg:$0x5] =	wrdreg s4  }
0x9: {  	s6 =	sadd.s32 $0x8800, s3;
	[dreg:$0x6] =	wrdreg s5  }
0xa: {  	s7 =	sadd.s32 $0xC800, s3;
	[dreg:$0x7] =	wrdreg s6  }
0xb: {  	s8 =	sadd.s32 $0x10800, s3;
	[dreg:$0x8] =	wrdreg s7  }
0xc: {  	s9 =	sadd.s32 $0x14800, s3;
	[dreg:$0x9] =	wrdreg s8  }
0xd: {  	s10 =	sadd.s32 $0x18800, s3;
	[dreg:$0xa] =	wrdreg s9  }
0xe: {  	s11 =	sadd.s32 $0x1C800, s3;
	[dreg:$0xb] =	wrdreg s10  }
0xf: {  	s12 =	sadd.s32 $0x20800, s3;
	[dreg:$0xc] =	wrdreg s11  }
0x10: {  	s13 =	sadd.s32 $0x24800, s3;
	[dreg:$0xd] =	wrdreg s12  }
0x11: {  	s14 =	sadd.s32 $0x28800, s3;
	[dreg:$0xe] =	wrdreg s13  }
0x12: {  	s15 =	sadd.s32 $0x2C800, s3;
	[dreg:$0xf] =	wrdreg s14  }
0x13: {  	s16 =	sadd.s32 $0x30800, s3;
	[dreg:$0x10] =	wrdreg s15  }
0x14: {  	s17 =	sadd.s32 $0x34800, s3;
	[dreg:$0x11] =	wrdreg s16  }
0x15: {  	s18 =	sadd.s32 $0x38800, s3;
	[dreg:$0x12] =	wrdreg s17  }
0x16: {  	s19 =	sadd.s32 $0x3C800, s3;
	[dreg:$0x13] =	wrdreg s18  }
0x17: {  	s20 =	sadd.s32 $0x40800, s3;
	[dreg:$0x14] =	wrdreg s19  }
0x18: {  	s21 =	sadd.s32 $0x44800, s3;
	[dreg:$0x15] =	wrdreg s20  }
0x19: {  	s22 =	sadd.s32 $0x48800, s3;
	[dreg:$0x16] =	wrdreg s21  }
0x1a: {  	s23 =	sadd.s32 $0x4C800, s3;
	[dreg:$0x17] =	wrdreg s22  }
0x1b: {  	s24 =	sadd.s32 $0x50800, s3;
	[dreg:$0x18] =	wrdreg s23  }
0x1c: {  	s25 =	sadd.s32 $0x54800, s3;
	[dreg:$0x19] =	wrdreg s24  }
0x1d: {  	s26 =	sadd.s32 $0x58800, s3;
	[dreg:$0x1a] =	wrdreg s25  }
0x1e: {  	[dreg:$0x1b] =	wrdreg s26  }
0x1f: {  	s4 =	sadd.s32 $0x5C800, s3;
	s0 =	rddreg [dreg:$0x4]  }
0x20: {  	s5 =	sadd.s32 $0x60800, s3;
	[dreg:$0x1c] =	wrdreg s4  }
0x21: {  	s6 =	sadd.s32 $0x64800, s3;
	[dreg:$0x1d] =	wrdreg s5  }
0x22: {  	s7 =	sadd.s32 $0x68800, s3;
	[dreg:$0x1e] =	wrdreg s6  }
0x23: {  	s8 =	sadd.s32 $0x6C800, s3;
	[dreg:$0x1f] =	wrdreg s7  }
0x24: {  	s9 =	sadd.s32 $0x70800, s3;
	[smem:$0x7EC] =	sst s8  }
0x25: {  	s10 =	sadd.s32 $0x74800, s3;
	[smem:$0x7ED] =	sst s9  }
0x26: {  	s31 =	simm.s32 $0x5;
	s11 =	sadd.s32 $0x78800, s3;
	[smem:$0x7EE] =	sst s10  }
0x27: {  	s29 =	simm.s32 $0x3C00;
	s12 =	sadd.s32 $0x7C800, s3;
	[smem:$0x7EF] =	sst s11  }
0x28: {  	s28 =	simm.s32 $0x4000;
	s13 =	simm.s32 $0x800;
	[smem:$0x7F0] =	sst s12  }
0x29: {  	p0 =	por $0x0, $0x0;
	s14 =	simm.s32 $0xC00;
	[smem:$0x7F1] =	sst s13  }
0x2a: {  	s1 =	ssub.s32 $0x2, s1;
	s16 =	simm.s32 $0x1000;
	[smem:$0x7F2] =	sst s14  }
0x2b: {  	s15 =	sshrl.u32 s1, $0x1;
	s17 =	simm.s32 $0x1400;
	[smem:$0x7F3] =	sst s16  }
0x2c: {  	s18 =	simm.s32 $0x1800;
	s19 =	simm.s32 $0x1C00;
	[smem:$0x7F4] =	sst s17  }
0x2d: {  	s20 =	simm.s32 $0x2000;
	s21 =	simm.s32 $0x2400;
	[smem:$0x7F5] =	sst s18  }
0x2e: {  	s3 =	simm.s32 $0x10000;
	s22 =	simm.s32 $0x2800;
	[smem:$0x7F6] =	sst s19  }
0x2f: {  	s23 =	simm.s32 $0x2C00;
	s24 =	simm.s32 $0x3000;
	[smem:$0x7F7] =	sst s20  }
0x30: {  	s25 =	simm.s32 $0x3400;
	s26 =	simm.s32 $0x3800;
	[smem:$0x7F8] =	sst s21  }
0x31: {  	s1 =	ssub.s32 s1, s15;
	s5 =	simm.s32 $0x400;
	[smem:$0x7F9] =	sst s22  }
0x32: {  	s4 =	simm.s32 $0x8000;
	s7 =	simm.s32 $0x1;
	[smem:$0x7FA] =	sst s23  }
0x33: {  	s6 =	simm.s32 $0x20;
	s8 =	simm.s32 $0x80;
	[smem:$0x7FB] =	sst s24  }
0x34: {  	s9 =	simm.s32 $0x3;
	[smem:$0x7FC] =	sst s25;
	s11 =	simm.s32 $0x2  }
0x35: {  	s10 =	simm.s32 $0x4;
	[smem:$0x7FD] =	sst s26;
	s1 =	smax.u32 s1, $0x1  }
0x36: {  	s26 =	simm.s32 $0x4400;
	s25 =	simm.s32 $0x4800;
	p1 =	sne.s32 s1, $0x1  }
.Ltmp0:
0x37: {  	s24 =	simm.s32 $0x4C00;
	s23 =	simm.s32 $0x5000;
	(pc) =	sbr.rel @!p1 .LBB2_3-.Ltmp0, $4  }
0x38: {  	s22 =	simm.s32 $0x5400;
	s21 =	simm.s32 $0x5800;
	s20 =	simm.s32 $0x5C00  }
0x39: {  	s19 =	simm.s32 $0x6000;
	s18 =	simm.s32 $0x6400;
	s17 =	simm.s32 $0x6800  }
0x3a: {  	s16 =	simm.s32 $0x6C00;
	s15 =	simm.s32 $0x7000;
	s14 =	simm.s32 $0x7400  }
0x3b: {  	s13 =	simm.s32 $0x7800;
	s12 =	simm.s32 $0x7C00;
	s1 =	sadd.s32 $0xFFFFFFFF, s1  }
0x3c: {  	[tilespmem:s30], [sflag:$0x5] =	stream.linear.gather [hbm4b:s0+s30], $0x8000, $0x38;
	[tilespmem:$0x18000] =	vst v63  }
0x3d: {  	_ =	swait.ge [sflag:s31], $0x8000  }
0x3e: {  	[sflag:s31] =	ssyncset.done $0x0  }
0x3f: {  	[sflag:s31] =	ssyncadd.s32 $0xFFFF8000  }
0x40: {  	[tilespmem:s4], [sflag:$0x1] =	stream.indirect.gather [hbm4b:s2+s5], $0x20, s30, s5, $0xb8;
	[tilespmem:$0x18000] =	vst v63  }
0x41: {  	_ = 	snop  }
0x42: {  	[tilespmem:s3], [sflag:$0x2] =	stream.indirect.gather [hbm4b:s2+s5], $0x20, s5, s5, $0xb8;
	[tilespmem:$0x18000] =	vst v63  }
0x43: {  	_ =	swait.ge [sflag:s7], $0x8000  }
0x44: {  	[sflag:s7] =	ssyncset.done $0x0  }
0x45: {  	s0 =	rddreg [dreg:$0x5];
	[sflag:s7] =	ssyncadd.s32 $0xFFFF8000  }
0x46: {  	[hbm4b:s0+s6] =	stream.strided.scatter [tilespmem:s4], [sflag:$0x3], $0x8000, s8, s6, $0x38;
	[tilespmem:$0x18000] =	vst v63  }
0x47: {  	_ =	swait.ge [sflag:s9], $0x8000  }
0x48: {  	s0 =	sld [smem:$0x7F1]  }
0x49: {  	[sflag:s9] =	ssyncset.done $0x0  }
0x4a: {  	[sflag:s9] =	ssyncadd.s32 $0xFFFF8000  }
0x4b: {  	[tilespmem:s4], [sflag:$0x1] =	stream.indirect.gather [hbm4b:s2+s5], $0x20, s0, s5, $0xb8;
	[tilespmem:$0x18000] =	vst v63  }
0x4c: {  	_ =	swait.ge [sflag:s11], $0x8000  }
0x4d: {  	[sflag:s11] =	ssyncset.done $0x0  }
0x4e: {  	s0 =	rddreg [dreg:$0x6];
	[sflag:s11] =	ssyncadd.s32 $0xFFFF8000  }
0x4f: {  	[hbm4b:s0+s6] =	stream.strided.scatter [tilespmem:s3], [sflag:$0x4], $0x8000, s8, s6, $0x38;
	[tilespmem:$0x18000] =	vst v63  }
0x50: {  	_ =	swait.ge [sflag:s10], $0x8000  }
0x51: {  	s0 =	sld [smem:$0x7F2]  }
0x52: {  	[sflag:s10] =	ssyncset.done $0x0  }
0x53: {  	[sflag:s10] =	ssyncadd.s32 $0xFFFF8000  }
0x54: {  	[tilespmem:s3], [sflag:$0x2] =	stream.indirect.gather [hbm4b:s2+s5], $0x20, s0, s5, $0xb8;
	[tilespmem:$0x18000] =	vst v63  }
0x55: {  	_ =	swait.ge [sflag:s7], $0x8000  }
0x56: {  	[sflag:s7] =	ssyncset.done $0x0  }
0x57: {  	s0 =	rddreg [dreg:$0x7];
	[sflag:s7] =	ssyncadd.s32 $0xFFFF8000  }
0x58: {  	[hbm4b:s0+s6] =	stream.strided.scatter [tilespmem:s4], [sflag:$0x3], $0x8000, s8, s6, $0x38;
	[tilespmem:$0x18000] =	vst v63  }
0x59: {  	_ =	swait.ge [sflag:s9], $0x8000  }
0x5a: {  	s0 =	sld [smem:$0x7F3]  }
0x5b: {  	[sflag:s9] =	ssyncset.done $0x0  }
0x5c: {  	[sflag:s9] =	ssyncadd.s32 $0xFFFF8000  }
0x5d: {  	[tilespmem:s4], [sflag:$0x1] =	stream.indirect.gather [hbm4b:s2+s5], $0x20, s0, s5, $0xb8;
	[tilespmem:$0x18000] =	vst v63  }
0x5e: {  	_ =	swait.ge [sflag:s11], $0x8000  }
0x5f: {  	[sflag:s11] =	ssyncset.done $0x0  }
0x60: {  	s0 =	rddreg [dreg:$0x8];
	[sflag:s11] =	ssyncadd.s32 $0xFFFF8000  }
0x61: {  	[hbm4b:s0+s6] =	stream.strided.scatter [tilespmem:s3], [sflag:$0x4], $0x8000, s8, s6, $0x38;
	[tilespmem:$0x18000] =	vst v63  }
0x62: {  	_ =	swait.ge [sflag:s10], $0x8000  }
0x63: {  	s0 =	sld [smem:$0x7F4]  }
0x64: {  	[sflag:s10] =	ssyncset.done $0x0  }
0x65: {  	[sflag:s10] =	ssyncadd.s32 $0xFFFF8000  }
0x66: {  	[tilespmem:s3], [sflag:$0x2] =	stream.indirect.gather [hbm4b:s2+s5], $0x20, s0, s5, $0xb8;
	[tilespmem:$0x18000] =	vst v63  }
0x67: {  	_ =	swait.ge [sflag:s7], $0x8000  }
0x68: {  	[sflag:s7] =	ssyncset.done $0x0  }
0x69: {  	s0 =	rddreg [dreg:$0x9];
	[sflag:s7] =	ssyncadd.s32 $0xFFFF8000  }
0x6a: {  	[hbm4b:s0+s6] =	stream.strided.scatter [tilespmem:s4], [sflag:$0x3], $0x8000, s8, s6, $0x38;
	[tilespmem:$0x18000] =	vst v63  }
0x6b: {  	_ =	swait.ge [sflag:s9], $0x8000  }
0x6c: {  	s0 =	sld [smem:$0x7F5]  }
0x6d: {  	[sflag:s9] =	ssyncset.done $0x0  }
0x6e: {  	[sflag:s9] =	ssyncadd.s32 $0xFFFF8000  }
0x6f: {  	[tilespmem:s4], [sflag:$0x1] =	stream.indirect.gather [hbm4b:s2+s5], $0x20, s0, s5, $0xb8;
	[tilespmem:$0x18000] =	vst v63  }
0x70: {  	_ =	swait.ge [sflag:s11], $0x8000  }
0x71: {  	[sflag:s11] =	ssyncset.done $0x0  }
0x72: {  	s0 =	rddreg [dreg:$0xa];
	[sflag:s11] =	ssyncadd.s32 $0xFFFF8000  }
0x73: {  	[hbm4b:s0+s6] =	stream.strided.scatter [tilespmem:s3], [sflag:$0x4], $0x8000, s8, s6, $0x38;
	[tilespmem:$0x18000] =	vst v63  }
0x74: {  	_ =	swait.ge [sflag:s10], $0x8000  }
0x75: {  	s0 =	sld [smem:$0x7F6]  }
0x76: {  	[sflag:s10] =	ssyncset.done $0x0  }
0x77: {  	[sflag:s10] =	ssyncadd.s32 $0xFFFF8000  }
0x78: {  	[tilespmem:s3], [sflag:$0x2] =	stream.indirect.gather [hbm4b:s2+s5], $0x20, s0, s5, $0xb8;
	[tilespmem:$0x18000] =	vst v63  }
0x79: {  	_ =	swait.ge [sflag:s7], $0x8000  }
0x7a: {  	[sflag:s7] =	ssyncset.done $0x0  }
0x7b: {  	s0 =	rddreg [dreg:$0xb];
	[sflag:s7] =	ssyncadd.s32 $0xFFFF8000  }
0x7c: {  	[hbm4b:s0+s6] =	stream.strided.scatter [tilespmem:s4], [sflag:$0x3], $0x8000, s8, s6, $0x38;
	[tilespmem:$0x18000] =	vst v63  }
0x7d: {  	_ =	swait.ge [sflag:s9], $0x8000  }
0x7e: {  	s0 =	sld [smem:$0x7F7]  }
0x7f: {  	[sflag:s9] =	ssyncset.done $0x0  }
0x80: {  	[sflag:s9] =	ssyncadd.s32 $0xFFFF8000  }
0x81: {  	[tilespmem:s4], [sflag:$0x1] =	stream.indirect.gather [hbm4b:s2+s5], $0x20, s0, s5, $0xb8;
	[tilespmem:$0x18000] =	vst v63  }
0x82: {  	_ =	swait.ge [sflag:s11], $0x8000  }
0x83: {  	[sflag:s11] =	ssyncset.done $0x0  }
0x84: {  	s0 =	rddreg [dreg:$0xc];
	[sflag:s11] =	ssyncadd.s32 $0xFFFF8000  }
0x85: {  	[hbm4b:s0+s6] =	stream.strided.scatter [tilespmem:s3], [sflag:$0x4], $0x8000, s8, s6, $0x38;
	[tilespmem:$0x18000] =	vst v63  }
0x86: {  	_ =	swait.ge [sflag:s10], $0x8000  }
0x87: {  	s0 =	sld [smem:$0x7F8]  }
0x88: {  	[sflag:s10] =	ssyncset.done $0x0  }
0x89: {  	[sflag:s10] =	ssyncadd.s32 $0xFFFF8000  }
0x8a: {  	[tilespmem:s3], [sflag:$0x2] =	stream.indirect.gather [hbm4b:s2+s5], $0x20, s0, s5, $0xb8;
	[tilespmem:$0x18000] =	vst v63  }
0x8b: {  	_ =	swait.ge [sflag:s7], $0x8000  }
0x8c: {  	[sflag:s7] =	ssyncset.done $0x0  }
0x8d: {  	s0 =	rddreg [dreg:$0xd];
	[sflag:s7] =	ssyncadd.s32 $0xFFFF8000  }
0x8e: {  	[hbm4b:s0+s6] =	stream.strided.scatter [tilespmem:s4], [sflag:$0x3], $0x8000, s8, s6, $0x38;
	[tilespmem:$0x18000] =	vst v63  }
0x8f: {  	_ =	swait.ge [sflag:s9], $0x8000  }
0x90: {  	s0 =	sld [smem:$0x7F9]  }
0x91: {  	[sflag:s9] =	ssyncset.done $0x0  }
0x92: {  	[sflag:s9] =	ssyncadd.s32 $0xFFFF8000  }
0x93: {  	[tilespmem:s4], [sflag:$0x1] =	stream.indirect.gather [hbm4b:s2+s5], $0x20, s0, s5, $0xb8;
	[tilespmem:$0x18000] =	vst v63  }
0x94: {  	_ =	swait.ge [sflag:s11], $0x8000  }
0x95: {  	[sflag:s11] =	ssyncset.done $0x0  }
0x96: {  	s0 =	rddreg [dreg:$0xe];
	[sflag:s11] =	ssyncadd.s32 $0xFFFF8000  }
0x97: {  	[hbm4b:s0+s6] =	stream.strided.scatter [tilespmem:s3], [sflag:$0x4], $0x8000, s8, s6, $0x38;
	[tilespmem:$0x18000] =	vst v63  }
0x98: {  	_ =	swait.ge [sflag:s10], $0x8000  }
0x99: {  	s0 =	sld [smem:$0x7FA]  }
0x9a: {  	[sflag:s10] =	ssyncset.done $0x0  }
0x9b: {  	[sflag:s10] =	ssyncadd.s32 $0xFFFF8000  }
0x9c: {  	[tilespmem:s3], [sflag:$0x2] =	stream.indirect.gather [hbm4b:s2+s5], $0x20, s0, s5, $0xb8;
	[tilespmem:$0x18000] =	vst v63  }
0x9d: {  	_ =	swait.ge [sflag:s7], $0x8000  }
0x9e: {  	[sflag:s7] =	ssyncset.done $0x0  }
0x9f: {  	s0 =	rddreg [dreg:$0xf];
	[sflag:s7] =	ssyncadd.s32 $0xFFFF8000  }
0xa0: {  	[hbm4b:s0+s6] =	stream.strided.scatter [tilespmem:s4], [sflag:$0x3], $0x8000, s8, s6, $0x38;
	[tilespmem:$0x18000] =	vst v63  }
0xa1: {  	_ =	swait.ge [sflag:s9], $0x8000  }
0xa2: {  	s0 =	sld [smem:$0x7FB]  }
0xa3: {  	[sflag:s9] =	ssyncset.done $0x0  }
0xa4: {  	[sflag:s9] =	ssyncadd.s32 $0xFFFF8000  }
0xa5: {  	[tilespmem:s4], [sflag:$0x1] =	stream.indirect.gather [hbm4b:s2+s5], $0x20, s0, s5, $0xb8;
	[tilespmem:$0x18000] =	vst v63  }
0xa6: {  	_ =	swait.ge [sflag:s11], $0x8000  }
0xa7: {  	[sflag:s11] =	ssyncset.done $0x0  }
0xa8: {  	s0 =	rddreg [dreg:$0x10];
	[sflag:s11] =	ssyncadd.s32 $0xFFFF8000  }
0xa9: {  	[hbm4b:s0+s6] =	stream.strided.scatter [tilespmem:s3], [sflag:$0x4], $0x8000, s8, s6, $0x38;
	[tilespmem:$0x18000] =	vst v63  }
0xaa: {  	_ =	swait.ge [sflag:s10], $0x8000  }
0xab: {  	s0 =	sld [smem:$0x7FC]  }
0xac: {  	[sflag:s10] =	ssyncset.done $0x0  }
0xad: {  	[sflag:s10] =	ssyncadd.s32 $0xFFFF8000  }
0xae: {  	[tilespmem:s3], [sflag:$0x2] =	stream.indirect.gather [hbm4b:s2+s5], $0x20, s0, s5, $0xb8;
	[tilespmem:$0x18000] =	vst v63  }
0xaf: {  	_ =	swait.ge [sflag:s7], $0x8000  }
0xb0: {  	[sflag:s7] =	ssyncset.done $0x0  }
0xb1: {  	s0 =	rddreg [dreg:$0x11];
	[sflag:s7] =	ssyncadd.s32 $0xFFFF8000  }
0xb2: {  	[hbm4b:s0+s6] =	stream.strided.scatter [tilespmem:s4], [sflag:$0x3], $0x8000, s8, s6, $0x38;
	[tilespmem:$0x18000] =	vst v63  }
0xb3: {  	_ =	swait.ge [sflag:s9], $0x8000  }
0xb4: {  	s0 =	sld [smem:$0x7FD]  }
0xb5: {  	[sflag:s9] =	ssyncset.done $0x0  }
0xb6: {  	[sflag:s9] =	ssyncadd.s32 $0xFFFF8000  }
0xb7: {  	[tilespmem:s4], [sflag:$0x1] =	stream.indirect.gather [hbm4b:s2+s5], $0x20, s0, s5, $0xb8;
	[tilespmem:$0x18000] =	vst v63  }
0xb8: {  	_ =	swait.ge [sflag:s11], $0x8000  }
0xb9: {  	[sflag:s11] =	ssyncset.done $0x0  }
0xba: {  	s0 =	rddreg [dreg:$0x12];
	[sflag:s11] =	ssyncadd.s32 $0xFFFF8000  }
0xbb: {  	[hbm4b:s0+s6] =	stream.strided.scatter [tilespmem:s3], [sflag:$0x4], $0x8000, s8, s6, $0x38;
	[tilespmem:$0x18000] =	vst v63  }
0xbc: {  	_ =	swait.ge [sflag:s10], $0x8000  }
0xbd: {  	[sflag:s10] =	ssyncset.done $0x0  }
0xbe: {  	[sflag:s10] =	ssyncadd.s32 $0xFFFF8000  }
0xbf: {  	[tilespmem:s3], [sflag:$0x2] =	stream.indirect.gather [hbm4b:s2+s5], $0x20, s29, s5, $0xb8;
	[tilespmem:$0x18000] =	vst v63  }
0xc0: {  	_ =	swait.ge [sflag:s7], $0x8000  }
0xc1: {  	[sflag:s7] =	ssyncset.done $0x0  }
0xc2: {  	s0 =	rddreg [dreg:$0x13];
	[sflag:s7] =	ssyncadd.s32 $0xFFFF8000  }
0xc3: {  	[hbm4b:s0+s6] =	stream.strided.scatter [tilespmem:s4], [sflag:$0x3], $0x8000, s8, s6, $0x38;
	[tilespmem:$0x18000] =	vst v63  }
0xc4: {  	_ =	swait.ge [sflag:s9], $0x8000  }
0xc5: {  	[sflag:s9] =	ssyncset.done $0x0  }
0xc6: {  	[sflag:s9] =	ssyncadd.s32 $0xFFFF8000  }
0xc7: {  	[tilespmem:s4], [sflag:$0x1] =	stream.indirect.gather [hbm4b:s2+s5], $0x20, s28, s5, $0xb8;
	[tilespmem:$0x18000] =	vst v63  }
0xc8: {  	_ =	swait.ge [sflag:s11], $0x8000  }
0xc9: {  	[sflag:s11] =	ssyncset.done $0x0  }
0xca: {  	s0 =	rddreg [dreg:$0x14];
	[sflag:s11] =	ssyncadd.s32 $0xFFFF8000  }
0xcb: {  	[hbm4b:s0+s6] =	stream.strided.scatter [tilespmem:s3], [sflag:$0x4], $0x8000, s8, s6, $0x38;
	[tilespmem:$0x18000] =	vst v63  }
0xcc: {  	_ =	swait.ge [sflag:s10], $0x8000  }
0xcd: {  	[sflag:s10] =	ssyncset.done $0x0  }
0xce: {  	[sflag:s10] =	ssyncadd.s32 $0xFFFF8000  }
0xcf: {  	[tilespmem:s3], [sflag:$0x2] =	stream.indirect.gather [hbm4b:s2+s5], $0x20, s26, s5, $0xb8;
	[tilespmem:$0x18000] =	vst v63  }
0xd0: {  	_ =	swait.ge [sflag:s7], $0x8000  }
0xd1: {  	[sflag:s7] =	ssyncset.done $0x0  }
0xd2: {  	s0 =	rddreg [dreg:$0x15];
	[sflag:s7] =	ssyncadd.s32 $0xFFFF8000  }
0xd3: {  	[hbm4b:s0+s6] =	stream.strided.scatter [tilespmem:s4], [sflag:$0x3], $0x8000, s8, s6, $0x38;
	[tilespmem:$0x18000] =	vst v63  }
0xd4: {  	_ =	swait.ge [sflag:s9], $0x8000  }
0xd5: {  	[sflag:s9] =	ssyncset.done $0x0  }
0xd6: {  	[sflag:s9] =	ssyncadd.s32 $0xFFFF8000  }
0xd7: {  	[tilespmem:s4], [sflag:$0x1] =	stream.indirect.gather [hbm4b:s2+s5], $0x20, s25, s5, $0xb8;
	[tilespmem:$0x18000] =	vst v63  }
0xd8: {  	_ =	swait.ge [sflag:s11], $0x8000  }
0xd9: {  	[sflag:s11] =	ssyncset.done $0x0  }
0xda: {  	s0 =	rddreg [dreg:$0x16];
	[sflag:s11] =	ssyncadd.s32 $0xFFFF8000  }
0xdb: {  	[hbm4b:s0+s6] =	stream.strided.scatter [tilespmem:s3], [sflag:$0x4], $0x8000, s8, s6, $0x38;
	[tilespmem:$0x18000] =	vst v63  }
0xdc: {  	_ =	swait.ge [sflag:s10], $0x8000  }
0xdd: {  	[sflag:s10] =	ssyncset.done $0x0  }
0xde: {  	[sflag:s10] =	ssyncadd.s32 $0xFFFF8000  }
0xdf: {  	[tilespmem:s3], [sflag:$0x2] =	stream.indirect.gather [hbm4b:s2+s5], $0x20, s24, s5, $0xb8;
	[tilespmem:$0x18000] =	vst v63  }
0xe0: {  	_ =	swait.ge [sflag:s7], $0x8000  }
0xe1: {  	[sflag:s7] =	ssyncset.done $0x0  }
0xe2: {  	s0 =	rddreg [dreg:$0x17];
	[sflag:s7] =	ssyncadd.s32 $0xFFFF8000  }
0xe3: {  	[hbm4b:s0+s6] =	stream.strided.scatter [tilespmem:s4], [sflag:$0x3], $0x8000, s8, s6, $0x38;
	[tilespmem:$0x18000] =	vst v63  }
0xe4: {  	_ =	swait.ge [sflag:s9], $0x8000  }
0xe5: {  	[sflag:s9] =	ssyncset.done $0x0  }
0xe6: {  	[sflag:s9] =	ssyncadd.s32 $0xFFFF8000  }
0xe7: {  	[tilespmem:s4], [sflag:$0x1] =	stream.indirect.gather [hbm4b:s2+s5], $0x20, s23, s5, $0xb8;
	[tilespmem:$0x18000] =	vst v63  }
0xe8: {  	_ =	swait.ge [sflag:s11], $0x8000  }
0xe9: {  	[sflag:s11] =	ssyncset.done $0x0  }
0xea: {  	s0 =	rddreg [dreg:$0x18];
	[sflag:s11] =	ssyncadd.s32 $0xFFFF8000  }
0xeb: {  	[hbm4b:s0+s6] =	stream.strided.scatter [tilespmem:s3], [sflag:$0x4], $0x8000, s8, s6, $0x38;
	[tilespmem:$0x18000] =	vst v63  }
0xec: {  	_ =	swait.ge [sflag:s10], $0x8000  }
0xed: {  	[sflag:s10] =	ssyncset.done $0x0  }
0xee: {  	[sflag:s10] =	ssyncadd.s32 $0xFFFF8000  }
0xef: {  	[tilespmem:s3], [sflag:$0x2] =	stream.indirect.gather [hbm4b:s2+s5], $0x20, s22, s5, $0xb8;
	[tilespmem:$0x18000] =	vst v63  }
0xf0: {  	_ =	swait.ge [sflag:s7], $0x8000  }
0xf1: {  	[sflag:s7] =	ssyncset.done $0x0  }
0xf2: {  	s0 =	rddreg [dreg:$0x19];
	[sflag:s7] =	ssyncadd.s32 $0xFFFF8000  }
0xf3: {  	[hbm4b:s0+s6] =	stream.strided.scatter [tilespmem:s4], [sflag:$0x3], $0x8000, s8, s6, $0x38;
	[tilespmem:$0x18000] =	vst v63  }
0xf4: {  	_ =	swait.ge [sflag:s9], $0x8000  }
0xf5: {  	[sflag:s9] =	ssyncset.done $0x0  }
0xf6: {  	[sflag:s9] =	ssyncadd.s32 $0xFFFF8000  }
0xf7: {  	[tilespmem:s4], [sflag:$0x1] =	stream.indirect.gather [hbm4b:s2+s5], $0x20, s21, s5, $0xb8;
	[tilespmem:$0x18000] =	vst v63  }
0xf8: {  	_ =	swait.ge [sflag:s11], $0x8000  }
0xf9: {  	[sflag:s11] =	ssyncset.done $0x0  }
0xfa: {  	s0 =	rddreg [dreg:$0x1a];
	[sflag:s11] =	ssyncadd.s32 $0xFFFF8000  }
0xfb: {  	[hbm4b:s0+s6] =	stream.strided.scatter [tilespmem:s3], [sflag:$0x4], $0x8000, s8, s6, $0x38;
	[tilespmem:$0x18000] =	vst v63  }
0xfc: {  	_ =	swait.ge [sflag:s10], $0x8000  }
0xfd: {  	[sflag:s10] =	ssyncset.done $0x0  }
0xfe: {  	[sflag:s10] =	ssyncadd.s32 $0xFFFF8000  }
0xff: {  	[tilespmem:s3], [sflag:$0x2] =	stream.indirect.gather [hbm4b:s2+s5], $0x20, s20, s5, $0xb8;
	[tilespmem:$0x18000] =	vst v63  }
0x100: {  	_ =	swait.ge [sflag:s7], $0x8000  }
0x101: {  	[sflag:s7] =	ssyncset.done $0x0  }
0x102: {  	s0 =	rddreg [dreg:$0x1b];
	[sflag:s7] =	ssyncadd.s32 $0xFFFF8000  }
0x103: {  	[hbm4b:s0+s6] =	stream.strided.scatter [tilespmem:s4], [sflag:$0x3], $0x8000, s8, s6, $0x38;
	[tilespmem:$0x18000] =	vst v63  }
0x104: {  	_ =	swait.ge [sflag:s9], $0x8000  }
0x105: {  	[sflag:s9] =	ssyncset.done $0x0  }
0x106: {  	[sflag:s9] =	ssyncadd.s32 $0xFFFF8000  }
0x107: {  	[tilespmem:s4], [sflag:$0x1] =	stream.indirect.gather [hbm4b:s2+s5], $0x20, s19, s5, $0xb8;
	[tilespmem:$0x18000] =	vst v63  }
0x108: {  	_ =	swait.ge [sflag:s11], $0x8000  }
0x109: {  	[sflag:s11] =	ssyncset.done $0x0  }
0x10a: {  	s0 =	rddreg [dreg:$0x1c];
	[sflag:s11] =	ssyncadd.s32 $0xFFFF8000  }
0x10b: {  	[hbm4b:s0+s6] =	stream.strided.scatter [tilespmem:s3], [sflag:$0x4], $0x8000, s8, s6, $0x38;
	[tilespmem:$0x18000] =	vst v63  }
0x10c: {  	_ =	swait.ge [sflag:s10], $0x8000  }
0x10d: {  	[sflag:s10] =	ssyncset.done $0x0  }
0x10e: {  	[sflag:s10] =	ssyncadd.s32 $0xFFFF8000  }
0x10f: {  	[tilespmem:s3], [sflag:$0x2] =	stream.indirect.gather [hbm4b:s2+s5], $0x20, s18, s5, $0xb8;
	[tilespmem:$0x18000] =	vst v63  }
0x110: {  	_ =	swait.ge [sflag:s7], $0x8000  }
0x111: {  	[sflag:s7] =	ssyncset.done $0x0  }
0x112: {  	s0 =	rddreg [dreg:$0x1d];
	[sflag:s7] =	ssyncadd.s32 $0xFFFF8000  }
0x113: {  	[hbm4b:s0+s6] =	stream.strided.scatter [tilespmem:s4], [sflag:$0x3], $0x8000, s8, s6, $0x38;
	[tilespmem:$0x18000] =	vst v63  }
0x114: {  	_ =	swait.ge [sflag:s9], $0x8000  }
0x115: {  	[sflag:s9] =	ssyncset.done $0x0  }
0x116: {  	[sflag:s9] =	ssyncadd.s32 $0xFFFF8000  }
0x117: {  	[tilespmem:s4], [sflag:$0x1] =	stream.indirect.gather [hbm4b:s2+s5], $0x20, s17, s5, $0xb8;
	[tilespmem:$0x18000] =	vst v63  }
0x118: {  	_ =	swait.ge [sflag:s11], $0x8000  }
0x119: {  	[sflag:s11] =	ssyncset.done $0x0  }
0x11a: {  	s0 =	rddreg [dreg:$0x1e];
	[sflag:s11] =	ssyncadd.s32 $0xFFFF8000  }
0x11b: {  	[hbm4b:s0+s6] =	stream.strided.scatter [tilespmem:s3], [sflag:$0x4], $0x8000, s8, s6, $0x38;
	[tilespmem:$0x18000] =	vst v63  }
0x11c: {  	_ =	swait.ge [sflag:s10], $0x8000  }
0x11d: {  	[sflag:s10] =	ssyncset.done $0x0  }
0x11e: {  	[sflag:s10] =	ssyncadd.s32 $0xFFFF8000  }
0x11f: {  	[tilespmem:s3], [sflag:$0x2] =	stream.indirect.gather [hbm4b:s2+s5], $0x20, s16, s5, $0xb8;
	[tilespmem:$0x18000] =	vst v63  }
0x120: {  	_ =	swait.ge [sflag:s7], $0x8000  }
0x121: {  	[sflag:s7] =	ssyncset.done $0x0  }
0x122: {  	s0 =	rddreg [dreg:$0x1f];
	[sflag:s7] =	ssyncadd.s32 $0xFFFF8000  }
0x123: {  	[hbm4b:s0+s6] =	stream.strided.scatter [tilespmem:s4], [sflag:$0x3], $0x8000, s8, s6, $0x38;
	[tilespmem:$0x18000] =	vst v63  }
0x124: {  	_ =	swait.ge [sflag:s9], $0x8000  }
0x125: {  	[sflag:s9] =	ssyncset.done $0x0  }
0x126: {  	[sflag:s9] =	ssyncadd.s32 $0xFFFF8000  }
0x127: {  	[tilespmem:s4], [sflag:$0x1] =	stream.indirect.gather [hbm4b:s2+s5], $0x20, s15, s5, $0xb8;
	[tilespmem:$0x18000] =	vst v63  }
0x128: {  	_ =	swait.ge [sflag:s11], $0x8000  }
0x129: {  	s0 =	sld [smem:$0x7EC]  }
0x12a: {  	[sflag:s11] =	ssyncset.done $0x0  }
0x12b: {  	[sflag:s11] =	ssyncadd.s32 $0xFFFF8000  }
0x12c: {  	[hbm4b:s0+s6] =	stream.strided.scatter [tilespmem:s3], [sflag:$0x4], $0x8000, s8, s6, $0x38;
	[tilespmem:$0x18000] =	vst v63  }
0x12d: {  	_ =	swait.ge [sflag:s10], $0x8000  }
0x12e: {  	[sflag:s10] =	ssyncset.done $0x0  }
0x12f: {  	[sflag:s10] =	ssyncadd.s32 $0xFFFF8000  }
0x130: {  	[tilespmem:s3], [sflag:$0x2] =	stream.indirect.gather [hbm4b:s2+s5], $0x20, s14, s5, $0xb8;
	[tilespmem:$0x18000] =	vst v63  }
0x131: {  	_ =	swait.ge [sflag:s7], $0x8000  }
0x132: {  	s0 =	sld [smem:$0x7ED]  }
0x133: {  	[sflag:s7] =	ssyncset.done $0x0  }
0x134: {  	[sflag:s7] =	ssyncadd.s32 $0xFFFF8000  }
0x135: {  	[hbm4b:s0+s6] =	stream.strided.scatter [tilespmem:s4], [sflag:$0x3], $0x8000, s8, s6, $0x38;
	[tilespmem:$0x18000] =	vst v63  }
0x136: {  	_ =	swait.ge [sflag:s9], $0x8000  }
0x137: {  	[sflag:s9] =	ssyncset.done $0x0  }
0x138: {  	[sflag:s9] =	ssyncadd.s32 $0xFFFF8000  }
0x139: {  	[tilespmem:s4], [sflag:$0x1] =	stream.indirect.gather [hbm4b:s2+s5], $0x20, s13, s5, $0xb8;
	[tilespmem:$0x18000] =	vst v63  }
0x13a: {  	_ =	swait.ge [sflag:s11], $0x8000  }
0x13b: {  	s0 =	sld [smem:$0x7EE]  }
0x13c: {  	[sflag:s11] =	ssyncset.done $0x0  }
0x13d: {  	[sflag:s11] =	ssyncadd.s32 $0xFFFF8000  }
0x13e: {  	[hbm4b:s0+s6] =	stream.strided.scatter [tilespmem:s3], [sflag:$0x4], $0x8000, s8, s6, $0x38;
	[tilespmem:$0x18000] =	vst v63  }
0x13f: {  	_ =	swait.ge [sflag:s10], $0x8000  }
0x140: {  	[sflag:s10] =	ssyncset.done $0x0  }
0x141: {  	[sflag:s10] =	ssyncadd.s32 $0xFFFF8000  }
0x142: {  	[tilespmem:s3], [sflag:$0x2] =	stream.indirect.gather [hbm4b:s2+s5], $0x20, s12, s5, $0xb8;
	[tilespmem:$0x18000] =	vst v63  }
0x143: {  	_ =	swait.ge [sflag:s7], $0x8000  }
0x144: {  	s0 =	sld [smem:$0x7EF]  }
0x145: {  	[sflag:s7] =	ssyncset.done $0x0  }
0x146: {  	[sflag:s7] =	ssyncadd.s32 $0xFFFF8000  }
0x147: {  	[hbm4b:s0+s6] =	stream.strided.scatter [tilespmem:s4], [sflag:$0x3], $0x8000, s8, s6, $0x38;
	[tilespmem:$0x18000] =	vst v63  }
0x148: {  	_ =	swait.ge [sflag:s11], $0x8000  }
0x149: {  	s0 =	sld [smem:$0x7F0]  }
0x14a: {  	[sflag:s11] =	ssyncset.done $0x0  }
0x14b: {  	p1 =	sne.s32 s1, $0x1;
	[sflag:s11] =	ssyncadd.s32 $0xFFFF8000  }
0x14c: {  	[hbm4b:s0+s6] =	stream.strided.scatter [tilespmem:s3], [sflag:$0x4], $0x8000, s8, s6, $0x38;
	[tilespmem:$0x18000] =	vst v63  }
.Ltmp1:
0x14d: {  	_ =	swait.ge [sflag:s9], $0x8000;
	(pc) =	sbr.rel @!p1 .LBB2_3-.Ltmp1, $4  }
0x14e: {  	[sflag:s9] =	ssyncset.done $0x0  }
0x14f: {  	[sflag:s9] =	ssyncadd.s32 $0xFFFF8000  }
0x150: {  	s1 =	sadd.s32 $0xFFFFFFFF, s1;
	_ =	swait.ge [sflag:s10], $0x8000  }
0x151: {  	p0 =	por $0x1, $0x1;
	s0 =	rddreg [dreg:$0x4];
	[sflag:s10] =	ssyncset.done $0x0  }
.LBB2_2:
0x152: {  	[sflag:s10] =	ssyncadd.s32 $0xFFFF8000  }
0x153: {  	[tilespmem:s30], [sflag:$0x5] =	stream.linear.gather [hbm4b:s0+s30], $0x8000, $0x38;
	[tilespmem:$0x18000] =	vst v63  }
0x154: {  	_ =	swait.ge [sflag:s31], $0x8000  }
0x155: {  	[sflag:s31] =	ssyncset.done $0x0  }
0x156: {  	[sflag:s31] =	ssyncadd.s32 $0xFFFF8000  }
0x157: {  	[tilespmem:s4], [sflag:$0x1] =	stream.indirect.gather [hbm4b:s2+s5], $0x20, s30, s5, $0xb8;
	[tilespmem:$0x18000] =	vst v63  }
0x158: {  	_ = 	snop  }
0x159: {  	[tilespmem:s3], [sflag:$0x2] =	stream.indirect.gather [hbm4b:s2+s5], $0x20, s5, s5, $0xb8;
	[tilespmem:$0x18000] =	vst v63  }
0x15a: {  	_ =	swait.ge [sflag:s7], $0x8000  }
0x15b: {  	[sflag:s7] =	ssyncset.done $0x0  }
0x15c: {  	s0 =	rddreg [dreg:$0x5];
	[sflag:s7] =	ssyncadd.s32 $0xFFFF8000  }
0x15d: {  	[hbm4b:s0+s6] =	stream.strided.scatter [tilespmem:s4], [sflag:$0x3], $0x8000, s8, s6, $0x38;
	[tilespmem:$0x18000] =	vst v63  }
0x15e: {  	_ =	swait.ge [sflag:s9], $0x8000  }
0x15f: {  	s0 =	sld [smem:$0x7F1]  }
0x160: {  	[sflag:s9] =	ssyncset.done $0x0  }
0x161: {  	[sflag:s9] =	ssyncadd.s32 $0xFFFF8000  }
0x162: {  	[tilespmem:s4], [sflag:$0x1] =	stream.indirect.gather [hbm4b:s2+s5], $0x20, s0, s5, $0xb8;
	[tilespmem:$0x18000] =	vst v63  }
0x163: {  	_ =	swait.ge [sflag:s11], $0x8000  }
0x164: {  	[sflag:s11] =	ssyncset.done $0x0  }
0x165: {  	s0 =	rddreg [dreg:$0x6];
	[sflag:s11] =	ssyncadd.s32 $0xFFFF8000  }
0x166: {  	[hbm4b:s0+s6] =	stream.strided.scatter [tilespmem:s3], [sflag:$0x4], $0x8000, s8, s6, $0x38;
	[tilespmem:$0x18000] =	vst v63  }
0x167: {  	_ =	swait.ge [sflag:s10], $0x8000  }
0x168: {  	s0 =	sld [smem:$0x7F2]  }
0x169: {  	[sflag:s10] =	ssyncset.done $0x0  }
0x16a: {  	[sflag:s10] =	ssyncadd.s32 $0xFFFF8000  }
0x16b: {  	[tilespmem:s3], [sflag:$0x2] =	stream.indirect.gather [hbm4b:s2+s5], $0x20, s0, s5, $0xb8;
	[tilespmem:$0x18000] =	vst v63  }
0x16c: {  	_ =	swait.ge [sflag:s7], $0x8000  }
0x16d: {  	[sflag:s7] =	ssyncset.done $0x0  }
0x16e: {  	s0 =	rddreg [dreg:$0x7];
	[sflag:s7] =	ssyncadd.s32 $0xFFFF8000  }
0x16f: {  	[hbm4b:s0+s6] =	stream.strided.scatter [tilespmem:s4], [sflag:$0x3], $0x8000, s8, s6, $0x38;
	[tilespmem:$0x18000] =	vst v63  }
0x170: {  	_ =	swait.ge [sflag:s9], $0x8000  }
0x171: {  	s0 =	sld [smem:$0x7F3]  }
0x172: {  	[sflag:s9] =	ssyncset.done $0x0  }
0x173: {  	[sflag:s9] =	ssyncadd.s32 $0xFFFF8000  }
0x174: {  	[tilespmem:s4], [sflag:$0x1] =	stream.indirect.gather [hbm4b:s2+s5], $0x20, s0, s5, $0xb8;
	[tilespmem:$0x18000] =	vst v63  }
0x175: {  	_ =	swait.ge [sflag:s11], $0x8000  }
0x176: {  	[sflag:s11] =	ssyncset.done $0x0  }
0x177: {  	s0 =	rddreg [dreg:$0x8];
	[sflag:s11] =	ssyncadd.s32 $0xFFFF8000  }
0x178: {  	[hbm4b:s0+s6] =	stream.strided.scatter [tilespmem:s3], [sflag:$0x4], $0x8000, s8, s6, $0x38;
	[tilespmem:$0x18000] =	vst v63  }
0x179: {  	_ =	swait.ge [sflag:s10], $0x8000  }
0x17a: {  	s0 =	sld [smem:$0x7F4]  }
0x17b: {  	[sflag:s10] =	ssyncset.done $0x0  }
0x17c: {  	[sflag:s10] =	ssyncadd.s32 $0xFFFF8000  }
0x17d: {  	[tilespmem:s3], [sflag:$0x2] =	stream.indirect.gather [hbm4b:s2+s5], $0x20, s0, s5, $0xb8;
	[tilespmem:$0x18000] =	vst v63  }
0x17e: {  	_ =	swait.ge [sflag:s7], $0x8000  }
0x17f: {  	[sflag:s7] =	ssyncset.done $0x0  }
0x180: {  	s0 =	rddreg [dreg:$0x9];
	[sflag:s7] =	ssyncadd.s32 $0xFFFF8000  }
0x181: {  	[hbm4b:s0+s6] =	stream.strided.scatter [tilespmem:s4], [sflag:$0x3], $0x8000, s8, s6, $0x38;
	[tilespmem:$0x18000] =	vst v63  }
0x182: {  	_ =	swait.ge [sflag:s9], $0x8000  }
0x183: {  	s0 =	sld [smem:$0x7F5]  }
0x184: {  	[sflag:s9] =	ssyncset.done $0x0  }
0x185: {  	[sflag:s9] =	ssyncadd.s32 $0xFFFF8000  }
0x186: {  	[tilespmem:s4], [sflag:$0x1] =	stream.indirect.gather [hbm4b:s2+s5], $0x20, s0, s5, $0xb8;
	[tilespmem:$0x18000] =	vst v63  }
0x187: {  	_ =	swait.ge [sflag:s11], $0x8000  }
0x188: {  	[sflag:s11] =	ssyncset.done $0x0  }
0x189: {  	s0 =	rddreg [dreg:$0xa];
	[sflag:s11] =	ssyncadd.s32 $0xFFFF8000  }
0x18a: {  	[hbm4b:s0+s6] =	stream.strided.scatter [tilespmem:s3], [sflag:$0x4], $0x8000, s8, s6, $0x38;
	[tilespmem:$0x18000] =	vst v63  }
0x18b: {  	_ =	swait.ge [sflag:s10], $0x8000  }
0x18c: {  	s0 =	sld [smem:$0x7F6]  }
0x18d: {  	[sflag:s10] =	ssyncset.done $0x0  }
0x18e: {  	[sflag:s10] =	ssyncadd.s32 $0xFFFF8000  }
0x18f: {  	[tilespmem:s3], [sflag:$0x2] =	stream.indirect.gather [hbm4b:s2+s5], $0x20, s0, s5, $0xb8;
	[tilespmem:$0x18000] =	vst v63  }
0x190: {  	_ =	swait.ge [sflag:s7], $0x8000  }
0x191: {  	[sflag:s7] =	ssyncset.done $0x0  }
0x192: {  	s0 =	rddreg [dreg:$0xb];
	[sflag:s7] =	ssyncadd.s32 $0xFFFF8000  }
0x193: {  	[hbm4b:s0+s6] =	stream.strided.scatter [tilespmem:s4], [sflag:$0x3], $0x8000, s8, s6, $0x38;
	[tilespmem:$0x18000] =	vst v63  }
0x194: {  	_ =	swait.ge [sflag:s9], $0x8000  }
0x195: {  	s0 =	sld [smem:$0x7F7]  }
0x196: {  	[sflag:s9] =	ssyncset.done $0x0  }
0x197: {  	[sflag:s9] =	ssyncadd.s32 $0xFFFF8000  }
0x198: {  	[tilespmem:s4], [sflag:$0x1] =	stream.indirect.gather [hbm4b:s2+s5], $0x20, s0, s5, $0xb8;
	[tilespmem:$0x18000] =	vst v63  }
0x199: {  	_ =	swait.ge [sflag:s11], $0x8000  }
0x19a: {  	[sflag:s11] =	ssyncset.done $0x0  }
0x19b: {  	s0 =	rddreg [dreg:$0xc];
	[sflag:s11] =	ssyncadd.s32 $0xFFFF8000  }
0x19c: {  	[hbm4b:s0+s6] =	stream.strided.scatter [tilespmem:s3], [sflag:$0x4], $0x8000, s8, s6, $0x38;
	[tilespmem:$0x18000] =	vst v63  }
0x19d: {  	_ =	swait.ge [sflag:s10], $0x8000  }
0x19e: {  	s0 =	sld [smem:$0x7F8]  }
0x19f: {  	[sflag:s10] =	ssyncset.done $0x0  }
0x1a0: {  	[sflag:s10] =	ssyncadd.s32 $0xFFFF8000  }
0x1a1: {  	[tilespmem:s3], [sflag:$0x2] =	stream.indirect.gather [hbm4b:s2+s5], $0x20, s0, s5, $0xb8;
	[tilespmem:$0x18000] =	vst v63  }
0x1a2: {  	_ =	swait.ge [sflag:s7], $0x8000  }
0x1a3: {  	[sflag:s7] =	ssyncset.done $0x0  }
0x1a4: {  	s0 =	rddreg [dreg:$0xd];
	[sflag:s7] =	ssyncadd.s32 $0xFFFF8000  }
0x1a5: {  	[hbm4b:s0+s6] =	stream.strided.scatter [tilespmem:s4], [sflag:$0x3], $0x8000, s8, s6, $0x38;
	[tilespmem:$0x18000] =	vst v63  }
0x1a6: {  	_ =	swait.ge [sflag:s9], $0x8000  }
0x1a7: {  	s0 =	sld [smem:$0x7F9]  }
0x1a8: {  	[sflag:s9] =	ssyncset.done $0x0  }
0x1a9: {  	[sflag:s9] =	ssyncadd.s32 $0xFFFF8000  }
0x1aa: {  	[tilespmem:s4], [sflag:$0x1] =	stream.indirect.gather [hbm4b:s2+s5], $0x20, s0, s5, $0xb8;
	[tilespmem:$0x18000] =	vst v63  }
0x1ab: {  	_ =	swait.ge [sflag:s11], $0x8000  }
0x1ac: {  	[sflag:s11] =	ssyncset.done $0x0  }
0x1ad: {  	s0 =	rddreg [dreg:$0xe];
	[sflag:s11] =	ssyncadd.s32 $0xFFFF8000  }
0x1ae: {  	[hbm4b:s0+s6] =	stream.strided.scatter [tilespmem:s3], [sflag:$0x4], $0x8000, s8, s6, $0x38;
	[tilespmem:$0x18000] =	vst v63  }
0x1af: {  	_ =	swait.ge [sflag:s10], $0x8000  }
0x1b0: {  	s0 =	sld [smem:$0x7FA]  }
0x1b1: {  	[sflag:s10] =	ssyncset.done $0x0  }
0x1b2: {  	[sflag:s10] =	ssyncadd.s32 $0xFFFF8000  }
0x1b3: {  	[tilespmem:s3], [sflag:$0x2] =	stream.indirect.gather [hbm4b:s2+s5], $0x20, s0, s5, $0xb8;
	[tilespmem:$0x18000] =	vst v63  }
0x1b4: {  	_ =	swait.ge [sflag:s7], $0x8000  }
0x1b5: {  	[sflag:s7] =	ssyncset.done $0x0  }
0x1b6: {  	s0 =	rddreg [dreg:$0xf];
	[sflag:s7] =	ssyncadd.s32 $0xFFFF8000  }
0x1b7: {  	[hbm4b:s0+s6] =	stream.strided.scatter [tilespmem:s4], [sflag:$0x3], $0x8000, s8, s6, $0x38;
	[tilespmem:$0x18000] =	vst v63  }
0x1b8: {  	_ =	swait.ge [sflag:s9], $0x8000  }
0x1b9: {  	s0 =	sld [smem:$0x7FB]  }
0x1ba: {  	[sflag:s9] =	ssyncset.done $0x0  }
0x1bb: {  	[sflag:s9] =	ssyncadd.s32 $0xFFFF8000  }
0x1bc: {  	[tilespmem:s4], [sflag:$0x1] =	stream.indirect.gather [hbm4b:s2+s5], $0x20, s0, s5, $0xb8;
	[tilespmem:$0x18000] =	vst v63  }
0x1bd: {  	_ =	swait.ge [sflag:s11], $0x8000  }
0x1be: {  	[sflag:s11] =	ssyncset.done $0x0  }
0x1bf: {  	s0 =	rddreg [dreg:$0x10];
	[sflag:s11] =	ssyncadd.s32 $0xFFFF8000  }
0x1c0: {  	[hbm4b:s0+s6] =	stream.strided.scatter [tilespmem:s3], [sflag:$0x4], $0x8000, s8, s6, $0x38;
	[tilespmem:$0x18000] =	vst v63  }
0x1c1: {  	_ =	swait.ge [sflag:s10], $0x8000  }
0x1c2: {  	s0 =	sld [smem:$0x7FC]  }
0x1c3: {  	[sflag:s10] =	ssyncset.done $0x0  }
0x1c4: {  	[sflag:s10] =	ssyncadd.s32 $0xFFFF8000  }
0x1c5: {  	[tilespmem:s3], [sflag:$0x2] =	stream.indirect.gather [hbm4b:s2+s5], $0x20, s0, s5, $0xb8;
	[tilespmem:$0x18000] =	vst v63  }
0x1c6: {  	_ =	swait.ge [sflag:s7], $0x8000  }
0x1c7: {  	[sflag:s7] =	ssyncset.done $0x0  }
0x1c8: {  	s0 =	rddreg [dreg:$0x11];
	[sflag:s7] =	ssyncadd.s32 $0xFFFF8000  }
0x1c9: {  	[hbm4b:s0+s6] =	stream.strided.scatter [tilespmem:s4], [sflag:$0x3], $0x8000, s8, s6, $0x38;
	[tilespmem:$0x18000] =	vst v63  }
0x1ca: {  	_ =	swait.ge [sflag:s9], $0x8000  }
0x1cb: {  	s0 =	sld [smem:$0x7FD]  }
0x1cc: {  	[sflag:s9] =	ssyncset.done $0x0  }
0x1cd: {  	[sflag:s9] =	ssyncadd.s32 $0xFFFF8000  }
0x1ce: {  	[tilespmem:s4], [sflag:$0x1] =	stream.indirect.gather [hbm4b:s2+s5], $0x20, s0, s5, $0xb8;
	[tilespmem:$0x18000] =	vst v63  }
0x1cf: {  	_ =	swait.ge [sflag:s11], $0x8000  }
0x1d0: {  	[sflag:s11] =	ssyncset.done $0x0  }
0x1d1: {  	s0 =	rddreg [dreg:$0x12];
	[sflag:s11] =	ssyncadd.s32 $0xFFFF8000  }
0x1d2: {  	[hbm4b:s0+s6] =	stream.strided.scatter [tilespmem:s3], [sflag:$0x4], $0x8000, s8, s6, $0x38;
	[tilespmem:$0x18000] =	vst v63  }
0x1d3: {  	_ =	swait.ge [sflag:s10], $0x8000  }
0x1d4: {  	[sflag:s10] =	ssyncset.done $0x0  }
0x1d5: {  	[sflag:s10] =	ssyncadd.s32 $0xFFFF8000  }
0x1d6: {  	[tilespmem:s3], [sflag:$0x2] =	stream.indirect.gather [hbm4b:s2+s5], $0x20, s29, s5, $0xb8;
	[tilespmem:$0x18000] =	vst v63  }
0x1d7: {  	_ =	swait.ge [sflag:s7], $0x8000  }
0x1d8: {  	[sflag:s7] =	ssyncset.done $0x0  }
0x1d9: {  	s0 =	rddreg [dreg:$0x13];
	[sflag:s7] =	ssyncadd.s32 $0xFFFF8000  }
0x1da: {  	[hbm4b:s0+s6] =	stream.strided.scatter [tilespmem:s4], [sflag:$0x3], $0x8000, s8, s6, $0x38;
	[tilespmem:$0x18000] =	vst v63  }
0x1db: {  	_ =	swait.ge [sflag:s9], $0x8000  }
0x1dc: {  	[sflag:s9] =	ssyncset.done $0x0  }
0x1dd: {  	[sflag:s9] =	ssyncadd.s32 $0xFFFF8000  }
0x1de: {  	[tilespmem:s4], [sflag:$0x1] =	stream.indirect.gather [hbm4b:s2+s5], $0x20, s28, s5, $0xb8;
	[tilespmem:$0x18000] =	vst v63  }
0x1df: {  	_ =	swait.ge [sflag:s11], $0x8000  }
0x1e0: {  	[sflag:s11] =	ssyncset.done $0x0  }
0x1e1: {  	s0 =	rddreg [dreg:$0x14];
	[sflag:s11] =	ssyncadd.s32 $0xFFFF8000  }
0x1e2: {  	[hbm4b:s0+s6] =	stream.strided.scatter [tilespmem:s3], [sflag:$0x4], $0x8000, s8, s6, $0x38;
	[tilespmem:$0x18000] =	vst v63  }
0x1e3: {  	_ =	swait.ge [sflag:s10], $0x8000  }
0x1e4: {  	[sflag:s10] =	ssyncset.done $0x0  }
0x1e5: {  	[sflag:s10] =	ssyncadd.s32 $0xFFFF8000  }
0x1e6: {  	[tilespmem:s3], [sflag:$0x2] =	stream.indirect.gather [hbm4b:s2+s5], $0x20, s26, s5, $0xb8;
	[tilespmem:$0x18000] =	vst v63  }
0x1e7: {  	_ =	swait.ge [sflag:s7], $0x8000  }
0x1e8: {  	[sflag:s7] =	ssyncset.done $0x0  }
0x1e9: {  	s0 =	rddreg [dreg:$0x15];
	[sflag:s7] =	ssyncadd.s32 $0xFFFF8000  }
0x1ea: {  	[hbm4b:s0+s6] =	stream.strided.scatter [tilespmem:s4], [sflag:$0x3], $0x8000, s8, s6, $0x38;
	[tilespmem:$0x18000] =	vst v63  }
0x1eb: {  	_ =	swait.ge [sflag:s9], $0x8000  }
0x1ec: {  	[sflag:s9] =	ssyncset.done $0x0  }
0x1ed: {  	[sflag:s9] =	ssyncadd.s32 $0xFFFF8000  }
0x1ee: {  	[tilespmem:s4], [sflag:$0x1] =	stream.indirect.gather [hbm4b:s2+s5], $0x20, s25, s5, $0xb8;
	[tilespmem:$0x18000] =	vst v63  }
0x1ef: {  	_ =	swait.ge [sflag:s11], $0x8000  }
0x1f0: {  	[sflag:s11] =	ssyncset.done $0x0  }
0x1f1: {  	s0 =	rddreg [dreg:$0x16];
	[sflag:s11] =	ssyncadd.s32 $0xFFFF8000  }
0x1f2: {  	[hbm4b:s0+s6] =	stream.strided.scatter [tilespmem:s3], [sflag:$0x4], $0x8000, s8, s6, $0x38;
	[tilespmem:$0x18000] =	vst v63  }
0x1f3: {  	_ =	swait.ge [sflag:s10], $0x8000  }
0x1f4: {  	[sflag:s10] =	ssyncset.done $0x0  }
0x1f5: {  	[sflag:s10] =	ssyncadd.s32 $0xFFFF8000  }
0x1f6: {  	[tilespmem:s3], [sflag:$0x2] =	stream.indirect.gather [hbm4b:s2+s5], $0x20, s24, s5, $0xb8;
	[tilespmem:$0x18000] =	vst v63  }
0x1f7: {  	_ =	swait.ge [sflag:s7], $0x8000  }
0x1f8: {  	[sflag:s7] =	ssyncset.done $0x0  }
0x1f9: {  	s0 =	rddreg [dreg:$0x17];
	[sflag:s7] =	ssyncadd.s32 $0xFFFF8000  }
0x1fa: {  	[hbm4b:s0+s6] =	stream.strided.scatter [tilespmem:s4], [sflag:$0x3], $0x8000, s8, s6, $0x38;
	[tilespmem:$0x18000] =	vst v63  }
0x1fb: {  	_ =	swait.ge [sflag:s9], $0x8000  }
0x1fc: {  	[sflag:s9] =	ssyncset.done $0x0  }
0x1fd: {  	[sflag:s9] =	ssyncadd.s32 $0xFFFF8000  }
0x1fe: {  	[tilespmem:s4], [sflag:$0x1] =	stream.indirect.gather [hbm4b:s2+s5], $0x20, s23, s5, $0xb8;
	[tilespmem:$0x18000] =	vst v63  }
0x1ff: {  	_ =	swait.ge [sflag:s11], $0x8000  }
0x200: {  	[sflag:s11] =	ssyncset.done $0x0  }
0x201: {  	s0 =	rddreg [dreg:$0x18];
	[sflag:s11] =	ssyncadd.s32 $0xFFFF8000  }
0x202: {  	[hbm4b:s0+s6] =	stream.strided.scatter [tilespmem:s3], [sflag:$0x4], $0x8000, s8, s6, $0x38;
	[tilespmem:$0x18000] =	vst v63  }
0x203: {  	_ =	swait.ge [sflag:s10], $0x8000  }
0x204: {  	[sflag:s10] =	ssyncset.done $0x0  }
0x205: {  	[sflag:s10] =	ssyncadd.s32 $0xFFFF8000  }
0x206: {  	[tilespmem:s3], [sflag:$0x2] =	stream.indirect.gather [hbm4b:s2+s5], $0x20, s22, s5, $0xb8;
	[tilespmem:$0x18000] =	vst v63  }
0x207: {  	_ =	swait.ge [sflag:s7], $0x8000  }
0x208: {  	[sflag:s7] =	ssyncset.done $0x0  }
0x209: {  	s0 =	rddreg [dreg:$0x19];
	[sflag:s7] =	ssyncadd.s32 $0xFFFF8000  }
0x20a: {  	[hbm4b:s0+s6] =	stream.strided.scatter [tilespmem:s4], [sflag:$0x3], $0x8000, s8, s6, $0x38;
	[tilespmem:$0x18000] =	vst v63  }
0x20b: {  	_ =	swait.ge [sflag:s9], $0x8000  }
0x20c: {  	[sflag:s9] =	ssyncset.done $0x0  }
0x20d: {  	[sflag:s9] =	ssyncadd.s32 $0xFFFF8000  }
0x20e: {  	[tilespmem:s4], [sflag:$0x1] =	stream.indirect.gather [hbm4b:s2+s5], $0x20, s21, s5, $0xb8;
	[tilespmem:$0x18000] =	vst v63  }
0x20f: {  	_ =	swait.ge [sflag:s11], $0x8000  }
0x210: {  	[sflag:s11] =	ssyncset.done $0x0  }
0x211: {  	s0 =	rddreg [dreg:$0x1a];
	[sflag:s11] =	ssyncadd.s32 $0xFFFF8000  }
0x212: {  	[hbm4b:s0+s6] =	stream.strided.scatter [tilespmem:s3], [sflag:$0x4], $0x8000, s8, s6, $0x38;
	[tilespmem:$0x18000] =	vst v63  }
0x213: {  	_ =	swait.ge [sflag:s10], $0x8000  }
0x214: {  	[sflag:s10] =	ssyncset.done $0x0  }
0x215: {  	[sflag:s10] =	ssyncadd.s32 $0xFFFF8000  }
0x216: {  	[tilespmem:s3], [sflag:$0x2] =	stream.indirect.gather [hbm4b:s2+s5], $0x20, s20, s5, $0xb8;
	[tilespmem:$0x18000] =	vst v63  }
0x217: {  	_ =	swait.ge [sflag:s7], $0x8000  }
0x218: {  	[sflag:s7] =	ssyncset.done $0x0  }
0x219: {  	s0 =	rddreg [dreg:$0x1b];
	[sflag:s7] =	ssyncadd.s32 $0xFFFF8000  }
0x21a: {  	[hbm4b:s0+s6] =	stream.strided.scatter [tilespmem:s4], [sflag:$0x3], $0x8000, s8, s6, $0x38;
	[tilespmem:$0x18000] =	vst v63  }
0x21b: {  	_ =	swait.ge [sflag:s9], $0x8000  }
0x21c: {  	[sflag:s9] =	ssyncset.done $0x0  }
0x21d: {  	[sflag:s9] =	ssyncadd.s32 $0xFFFF8000  }
0x21e: {  	[tilespmem:s4], [sflag:$0x1] =	stream.indirect.gather [hbm4b:s2+s5], $0x20, s19, s5, $0xb8;
	[tilespmem:$0x18000] =	vst v63  }
0x21f: {  	_ =	swait.ge [sflag:s11], $0x8000  }
0x220: {  	[sflag:s11] =	ssyncset.done $0x0  }
0x221: {  	s0 =	rddreg [dreg:$0x1c];
	[sflag:s11] =	ssyncadd.s32 $0xFFFF8000  }
0x222: {  	[hbm4b:s0+s6] =	stream.strided.scatter [tilespmem:s3], [sflag:$0x4], $0x8000, s8, s6, $0x38;
	[tilespmem:$0x18000] =	vst v63  }
0x223: {  	_ =	swait.ge [sflag:s10], $0x8000  }
0x224: {  	[sflag:s10] =	ssyncset.done $0x0  }
0x225: {  	[sflag:s10] =	ssyncadd.s32 $0xFFFF8000  }
0x226: {  	[tilespmem:s3], [sflag:$0x2] =	stream.indirect.gather [hbm4b:s2+s5], $0x20, s18, s5, $0xb8;
	[tilespmem:$0x18000] =	vst v63  }
0x227: {  	_ =	swait.ge [sflag:s7], $0x8000  }
0x228: {  	[sflag:s7] =	ssyncset.done $0x0  }
0x229: {  	s0 =	rddreg [dreg:$0x1d];
	[sflag:s7] =	ssyncadd.s32 $0xFFFF8000  }
0x22a: {  	[hbm4b:s0+s6] =	stream.strided.scatter [tilespmem:s4], [sflag:$0x3], $0x8000, s8, s6, $0x38;
	[tilespmem:$0x18000] =	vst v63  }
0x22b: {  	_ =	swait.ge [sflag:s9], $0x8000  }
0x22c: {  	[sflag:s9] =	ssyncset.done $0x0  }
0x22d: {  	[sflag:s9] =	ssyncadd.s32 $0xFFFF8000  }
0x22e: {  	[tilespmem:s4], [sflag:$0x1] =	stream.indirect.gather [hbm4b:s2+s5], $0x20, s17, s5, $0xb8;
	[tilespmem:$0x18000] =	vst v63  }
0x22f: {  	_ =	swait.ge [sflag:s11], $0x8000  }
0x230: {  	[sflag:s11] =	ssyncset.done $0x0  }
0x231: {  	s0 =	rddreg [dreg:$0x1e];
	[sflag:s11] =	ssyncadd.s32 $0xFFFF8000  }
0x232: {  	[hbm4b:s0+s6] =	stream.strided.scatter [tilespmem:s3], [sflag:$0x4], $0x8000, s8, s6, $0x38;
	[tilespmem:$0x18000] =	vst v63  }
0x233: {  	_ =	swait.ge [sflag:s10], $0x8000  }
0x234: {  	[sflag:s10] =	ssyncset.done $0x0  }
0x235: {  	[sflag:s10] =	ssyncadd.s32 $0xFFFF8000  }
0x236: {  	[tilespmem:s3], [sflag:$0x2] =	stream.indirect.gather [hbm4b:s2+s5], $0x20, s16, s5, $0xb8;
	[tilespmem:$0x18000] =	vst v63  }
0x237: {  	_ =	swait.ge [sflag:s7], $0x8000  }
0x238: {  	[sflag:s7] =	ssyncset.done $0x0  }
0x239: {  	s0 =	rddreg [dreg:$0x1f];
	[sflag:s7] =	ssyncadd.s32 $0xFFFF8000  }
0x23a: {  	[hbm4b:s0+s6] =	stream.strided.scatter [tilespmem:s4], [sflag:$0x3], $0x8000, s8, s6, $0x38;
	[tilespmem:$0x18000] =	vst v63  }
0x23b: {  	_ =	swait.ge [sflag:s9], $0x8000  }
0x23c: {  	[sflag:s9] =	ssyncset.done $0x0  }
0x23d: {  	[sflag:s9] =	ssyncadd.s32 $0xFFFF8000  }
0x23e: {  	[tilespmem:s4], [sflag:$0x1] =	stream.indirect.gather [hbm4b:s2+s5], $0x20, s15, s5, $0xb8;
	[tilespmem:$0x18000] =	vst v63  }
0x23f: {  	_ =	swait.ge [sflag:s11], $0x8000  }
0x240: {  	s0 =	sld [smem:$0x7EC]  }
0x241: {  	[sflag:s11] =	ssyncset.done $0x0  }
0x242: {  	[sflag:s11] =	ssyncadd.s32 $0xFFFF8000  }
0x243: {  	[hbm4b:s0+s6] =	stream.strided.scatter [tilespmem:s3], [sflag:$0x4], $0x8000, s8, s6, $0x38;
	[tilespmem:$0x18000] =	vst v63  }
0x244: {  	_ =	swait.ge [sflag:s10], $0x8000  }
0x245: {  	[sflag:s10] =	ssyncset.done $0x0  }
0x246: {  	[sflag:s10] =	ssyncadd.s32 $0xFFFF8000  }
0x247: {  	[tilespmem:s3], [sflag:$0x2] =	stream.indirect.gather [hbm4b:s2+s5], $0x20, s14, s5, $0xb8;
	[tilespmem:$0x18000] =	vst v63  }
0x248: {  	_ =	swait.ge [sflag:s7], $0x8000  }
0x249: {  	s0 =	sld [smem:$0x7ED]  }
0x24a: {  	[sflag:s7] =	ssyncset.done $0x0  }
0x24b: {  	[sflag:s7] =	ssyncadd.s32 $0xFFFF8000  }
0x24c: {  	[hbm4b:s0+s6] =	stream.strided.scatter [tilespmem:s4], [sflag:$0x3], $0x8000, s8, s6, $0x38;
	[tilespmem:$0x18000] =	vst v63  }
0x24d: {  	_ =	swait.ge [sflag:s9], $0x8000  }
0x24e: {  	[sflag:s9] =	ssyncset.done $0x0  }
0x24f: {  	[sflag:s9] =	ssyncadd.s32 $0xFFFF8000  }
0x250: {  	[tilespmem:s4], [sflag:$0x1] =	stream.indirect.gather [hbm4b:s2+s5], $0x20, s13, s5, $0xb8;
	[tilespmem:$0x18000] =	vst v63  }
0x251: {  	_ =	swait.ge [sflag:s11], $0x8000  }
0x252: {  	s0 =	sld [smem:$0x7EE]  }
0x253: {  	[sflag:s11] =	ssyncset.done $0x0  }
0x254: {  	[sflag:s11] =	ssyncadd.s32 $0xFFFF8000  }
0x255: {  	[hbm4b:s0+s6] =	stream.strided.scatter [tilespmem:s3], [sflag:$0x4], $0x8000, s8, s6, $0x38;
	[tilespmem:$0x18000] =	vst v63  }
0x256: {  	_ =	swait.ge [sflag:s10], $0x8000  }
0x257: {  	[sflag:s10] =	ssyncset.done $0x0  }
0x258: {  	[sflag:s10] =	ssyncadd.s32 $0xFFFF8000  }
0x259: {  	[tilespmem:s3], [sflag:$0x2] =	stream.indirect.gather [hbm4b:s2+s5], $0x20, s12, s5, $0xb8;
	[tilespmem:$0x18000] =	vst v63  }
0x25a: {  	_ =	swait.ge [sflag:s7], $0x8000  }
0x25b: {  	s0 =	sld [smem:$0x7EF]  }
0x25c: {  	[sflag:s7] =	ssyncset.done $0x0  }
0x25d: {  	[sflag:s7] =	ssyncadd.s32 $0xFFFF8000  }
0x25e: {  	[hbm4b:s0+s6] =	stream.strided.scatter [tilespmem:s4], [sflag:$0x3], $0x8000, s8, s6, $0x38;
	[tilespmem:$0x18000] =	vst v63  }
0x25f: {  	_ =	swait.ge [sflag:s11], $0x8000  }
0x260: {  	s0 =	sld [smem:$0x7F0]  }
0x261: {  	[sflag:s11] =	ssyncset.done $0x0  }
0x262: {  	p1 =	sne.s32 s1, $0x1;
	[sflag:s11] =	ssyncadd.s32 $0xFFFF8000  }
0x263: {  	[hbm4b:s0+s6] =	stream.strided.scatter [tilespmem:s3], [sflag:$0x4], $0x8000, s8, s6, $0x38;
	[tilespmem:$0x18000] =	vst v63  }
.Ltmp2:
0x264: {  	_ =	swait.ge [sflag:s9], $0x8000;
	(pc) =	sbr.rel @p1 .LBB2_2-.Ltmp2, $4  }
0x265: {  	[sflag:s9] =	ssyncset.done $0x0  }
0x266: {  	[sflag:s9] =	ssyncadd.s32 $0xFFFF8000  }
0x267: {  	_ =	swait.ge [sflag:s10], $0x8000  }
0x268: {  	s1 =	sadd.s32 $0xFFFFFFFF, s1;
	s0 =	rddreg [dreg:$0x4];
	[sflag:s10] =	ssyncset.done $0x0  }
.LBB2_3:
0x269: {  	[sflag:s10] =	ssyncadd.s32 @p0 $0xFFFF8000  }
0x26a: {  	[tilespmem:s30], [sflag:$0x5] =	stream.linear.gather [hbm4b:s0+s30], $0x8000, $0x38;
	[tilespmem:$0x18000] =	vst v63  }
0x26b: {  	_ =	swait.ge [sflag:s31], $0x8000  }
0x26c: {  	[sflag:s31] =	ssyncset.done $0x0  }
0x26d: {  	[sflag:s31] =	ssyncadd.s32 $0xFFFF8000  }
0x26e: {  	[tilespmem:s4], [sflag:$0x1] =	stream.indirect.gather [hbm4b:s2+s5], $0x20, s30, s5, $0xb8;
	[tilespmem:$0x18000] =	vst v63  }
0x26f: {  	_ = 	snop  }
0x270: {  	[tilespmem:s3], [sflag:$0x2] =	stream.indirect.gather [hbm4b:s2+s5], $0x20, s5, s5, $0xb8;
	[tilespmem:$0x18000] =	vst v63  }
0x271: {  	_ =	swait.ge [sflag:s7], $0x8000  }
0x272: {  	[sflag:s7] =	ssyncset.done $0x0  }
0x273: {  	s31 =	rddreg [dreg:$0x5];
	[sflag:s7] =	ssyncadd.s32 $0xFFFF8000  }
0x274: {  	[hbm4b:s31+s6] =	stream.strided.scatter [tilespmem:s4], [sflag:$0x3], $0x8000, s8, s6, $0x38;
	[tilespmem:$0x18000] =	vst v63  }
0x275: {  	_ =	swait.ge [sflag:s9], $0x8000  }
0x276: {  	s1 =	sld [smem:$0x7F1]  }
0x277: {  	[sflag:s9] =	ssyncset.done $0x0  }
0x278: {  	[sflag:s9] =	ssyncadd.s32 $0xFFFF8000  }
0x279: {  	[tilespmem:s4], [sflag:$0x1] =	stream.indirect.gather [hbm4b:s2+s5], $0x20, s1, s5, $0xb8;
	[tilespmem:$0x18000] =	vst v63  }
0x27a: {  	_ =	swait.ge [sflag:s11], $0x8000  }
0x27b: {  	[sflag:s11] =	ssyncset.done $0x0  }
0x27c: {  	s30 =	rddreg [dreg:$0x6];
	[sflag:s11] =	ssyncadd.s32 $0xFFFF8000  }
0x27d: {  	[hbm4b:s30+s6] =	stream.strided.scatter [tilespmem:s3], [sflag:$0x4], $0x8000, s8, s6, $0x38;
	[tilespmem:$0x18000] =	vst v63  }
0x27e: {  	_ =	swait.ge [sflag:s10], $0x8000  }
0x27f: {  	s31 =	sld [smem:$0x7F2]  }
0x280: {  	[sflag:s10] =	ssyncset.done $0x0  }
0x281: {  	[sflag:s10] =	ssyncadd.s32 $0xFFFF8000  }
0x282: {  	[tilespmem:s3], [sflag:$0x2] =	stream.indirect.gather [hbm4b:s2+s5], $0x20, s31, s5, $0xb8;
	[tilespmem:$0x18000] =	vst v63  }
0x283: {  	_ =	swait.ge [sflag:s7], $0x8000  }
0x284: {  	[sflag:s7] =	ssyncset.done $0x0  }
0x285: {  	s1 =	rddreg [dreg:$0x7];
	[sflag:s7] =	ssyncadd.s32 $0xFFFF8000  }
0x286: {  	[hbm4b:s1+s6] =	stream.strided.scatter [tilespmem:s4], [sflag:$0x3], $0x8000, s8, s6, $0x38;
	[tilespmem:$0x18000] =	vst v63  }
0x287: {  	_ =	swait.ge [sflag:s9], $0x8000  }
0x288: {  	s30 =	sld [smem:$0x7F3]  }
0x289: {  	[sflag:s9] =	ssyncset.done $0x0  }
0x28a: {  	[sflag:s9] =	ssyncadd.s32 $0xFFFF8000  }
0x28b: {  	[tilespmem:s4], [sflag:$0x1] =	stream.indirect.gather [hbm4b:s2+s5], $0x20, s30, s5, $0xb8;
	[tilespmem:$0x18000] =	vst v63  }
0x28c: {  	_ =	swait.ge [sflag:s11], $0x8000  }
0x28d: {  	[sflag:s11] =	ssyncset.done $0x0  }
0x28e: {  	s31 =	rddreg [dreg:$0x8];
	[sflag:s11] =	ssyncadd.s32 $0xFFFF8000  }
0x28f: {  	[hbm4b:s31+s6] =	stream.strided.scatter [tilespmem:s3], [sflag:$0x4], $0x8000, s8, s6, $0x38;
	[tilespmem:$0x18000] =	vst v63  }
0x290: {  	_ =	swait.ge [sflag:s10], $0x8000  }
0x291: {  	s1 =	sld [smem:$0x7F4]  }
0x292: {  	[sflag:s10] =	ssyncset.done $0x0  }
0x293: {  	[sflag:s10] =	ssyncadd.s32 $0xFFFF8000  }
0x294: {  	[tilespmem:s3], [sflag:$0x2] =	stream.indirect.gather [hbm4b:s2+s5], $0x20, s1, s5, $0xb8;
	[tilespmem:$0x18000] =	vst v63  }
0x295: {  	_ =	swait.ge [sflag:s7], $0x8000  }
0x296: {  	[sflag:s7] =	ssyncset.done $0x0  }
0x297: {  	s30 =	rddreg [dreg:$0x9];
	[sflag:s7] =	ssyncadd.s32 $0xFFFF8000  }
0x298: {  	[hbm4b:s30+s6] =	stream.strided.scatter [tilespmem:s4], [sflag:$0x3], $0x8000, s8, s6, $0x38;
	[tilespmem:$0x18000] =	vst v63  }
0x299: {  	_ =	swait.ge [sflag:s9], $0x8000  }
0x29a: {  	s31 =	sld [smem:$0x7F5]  }
0x29b: {  	[sflag:s9] =	ssyncset.done $0x0  }
0x29c: {  	[sflag:s9] =	ssyncadd.s32 $0xFFFF8000  }
0x29d: {  	[tilespmem:s4], [sflag:$0x1] =	stream.indirect.gather [hbm4b:s2+s5], $0x20, s31, s5, $0xb8;
	[tilespmem:$0x18000] =	vst v63  }
0x29e: {  	_ =	swait.ge [sflag:s11], $0x8000  }
0x29f: {  	[sflag:s11] =	ssyncset.done $0x0  }
0x2a0: {  	s1 =	rddreg [dreg:$0xa];
	[sflag:s11] =	ssyncadd.s32 $0xFFFF8000  }
0x2a1: {  	[hbm4b:s1+s6] =	stream.strided.scatter [tilespmem:s3], [sflag:$0x4], $0x8000, s8, s6, $0x38;
	[tilespmem:$0x18000] =	vst v63  }
0x2a2: {  	_ =	swait.ge [sflag:s10], $0x8000  }
0x2a3: {  	s30 =	sld [smem:$0x7F6]  }
0x2a4: {  	[sflag:s10] =	ssyncset.done $0x0  }
0x2a5: {  	[sflag:s10] =	ssyncadd.s32 $0xFFFF8000  }
0x2a6: {  	[tilespmem:s3], [sflag:$0x2] =	stream.indirect.gather [hbm4b:s2+s5], $0x20, s30, s5, $0xb8;
	[tilespmem:$0x18000] =	vst v63  }
0x2a7: {  	_ =	swait.ge [sflag:s7], $0x8000  }
0x2a8: {  	[sflag:s7] =	ssyncset.done $0x0  }
0x2a9: {  	s31 =	rddreg [dreg:$0xb];
	[sflag:s7] =	ssyncadd.s32 $0xFFFF8000  }
0x2aa: {  	[hbm4b:s31+s6] =	stream.strided.scatter [tilespmem:s4], [sflag:$0x3], $0x8000, s8, s6, $0x38;
	[tilespmem:$0x18000] =	vst v63  }
0x2ab: {  	_ =	swait.ge [sflag:s9], $0x8000  }
0x2ac: {  	s1 =	sld [smem:$0x7F7]  }
0x2ad: {  	[sflag:s9] =	ssyncset.done $0x0  }
0x2ae: {  	[sflag:s9] =	ssyncadd.s32 $0xFFFF8000  }
0x2af: {  	[tilespmem:s4], [sflag:$0x1] =	stream.indirect.gather [hbm4b:s2+s5], $0x20, s1, s5, $0xb8;
	[tilespmem:$0x18000] =	vst v63  }
0x2b0: {  	_ =	swait.ge [sflag:s11], $0x8000  }
0x2b1: {  	[sflag:s11] =	ssyncset.done $0x0  }
0x2b2: {  	s30 =	rddreg [dreg:$0xc];
	[sflag:s11] =	ssyncadd.s32 $0xFFFF8000  }
0x2b3: {  	[hbm4b:s30+s6] =	stream.strided.scatter [tilespmem:s3], [sflag:$0x4], $0x8000, s8, s6, $0x38;
	[tilespmem:$0x18000] =	vst v63  }
0x2b4: {  	_ =	swait.ge [sflag:s10], $0x8000  }
0x2b5: {  	s31 =	sld [smem:$0x7F8]  }
0x2b6: {  	[sflag:s10] =	ssyncset.done $0x0  }
0x2b7: {  	[sflag:s10] =	ssyncadd.s32 $0xFFFF8000  }
0x2b8: {  	[tilespmem:s3], [sflag:$0x2] =	stream.indirect.gather [hbm4b:s2+s5], $0x20, s31, s5, $0xb8;
	[tilespmem:$0x18000] =	vst v63  }
0x2b9: {  	_ =	swait.ge [sflag:s7], $0x8000  }
0x2ba: {  	[sflag:s7] =	ssyncset.done $0x0  }
0x2bb: {  	s1 =	rddreg [dreg:$0xd];
	[sflag:s7] =	ssyncadd.s32 $0xFFFF8000  }
0x2bc: {  	[hbm4b:s1+s6] =	stream.strided.scatter [tilespmem:s4], [sflag:$0x3], $0x8000, s8, s6, $0x38;
	[tilespmem:$0x18000] =	vst v63  }
0x2bd: {  	_ =	swait.ge [sflag:s9], $0x8000  }
0x2be: {  	s30 =	sld [smem:$0x7F9]  }
0x2bf: {  	[sflag:s9] =	ssyncset.done $0x0  }
0x2c0: {  	[sflag:s9] =	ssyncadd.s32 $0xFFFF8000  }
0x2c1: {  	[tilespmem:s4], [sflag:$0x1] =	stream.indirect.gather [hbm4b:s2+s5], $0x20, s30, s5, $0xb8;
	[tilespmem:$0x18000] =	vst v63  }
0x2c2: {  	_ =	swait.ge [sflag:s11], $0x8000  }
0x2c3: {  	[sflag:s11] =	ssyncset.done $0x0  }
0x2c4: {  	s31 =	rddreg [dreg:$0xe];
	[sflag:s11] =	ssyncadd.s32 $0xFFFF8000  }
0x2c5: {  	[hbm4b:s31+s6] =	stream.strided.scatter [tilespmem:s3], [sflag:$0x4], $0x8000, s8, s6, $0x38;
	[tilespmem:$0x18000] =	vst v63  }
0x2c6: {  	_ =	swait.ge [sflag:s10], $0x8000  }
0x2c7: {  	s1 =	sld [smem:$0x7FA]  }
0x2c8: {  	[sflag:s10] =	ssyncset.done $0x0  }
0x2c9: {  	[sflag:s10] =	ssyncadd.s32 $0xFFFF8000  }
0x2ca: {  	[tilespmem:s3], [sflag:$0x2] =	stream.indirect.gather [hbm4b:s2+s5], $0x20, s1, s5, $0xb8;
	[tilespmem:$0x18000] =	vst v63  }
0x2cb: {  	_ =	swait.ge [sflag:s7], $0x8000  }
0x2cc: {  	[sflag:s7] =	ssyncset.done $0x0  }
0x2cd: {  	s30 =	rddreg [dreg:$0xf];
	[sflag:s7] =	ssyncadd.s32 $0xFFFF8000  }
0x2ce: {  	[hbm4b:s30+s6] =	stream.strided.scatter [tilespmem:s4], [sflag:$0x3], $0x8000, s8, s6, $0x38;
	[tilespmem:$0x18000] =	vst v63  }
0x2cf: {  	_ =	swait.ge [sflag:s9], $0x8000  }
0x2d0: {  	s31 =	sld [smem:$0x7FB]  }
0x2d1: {  	[sflag:s9] =	ssyncset.done $0x0  }
0x2d2: {  	[sflag:s9] =	ssyncadd.s32 $0xFFFF8000  }
0x2d3: {  	[tilespmem:s4], [sflag:$0x1] =	stream.indirect.gather [hbm4b:s2+s5], $0x20, s31, s5, $0xb8;
	[tilespmem:$0x18000] =	vst v63  }
0x2d4: {  	_ =	swait.ge [sflag:s11], $0x8000  }
0x2d5: {  	[sflag:s11] =	ssyncset.done $0x0  }
0x2d6: {  	s1 =	rddreg [dreg:$0x10];
	[sflag:s11] =	ssyncadd.s32 $0xFFFF8000  }
0x2d7: {  	[hbm4b:s1+s6] =	stream.strided.scatter [tilespmem:s3], [sflag:$0x4], $0x8000, s8, s6, $0x38;
	[tilespmem:$0x18000] =	vst v63  }
0x2d8: {  	_ =	swait.ge [sflag:s10], $0x8000  }
0x2d9: {  	s30 =	sld [smem:$0x7FC]  }
0x2da: {  	[sflag:s10] =	ssyncset.done $0x0  }
0x2db: {  	[sflag:s10] =	ssyncadd.s32 $0xFFFF8000  }
0x2dc: {  	[tilespmem:s3], [sflag:$0x2] =	stream.indirect.gather [hbm4b:s2+s5], $0x20, s30, s5, $0xb8;
	[tilespmem:$0x18000] =	vst v63  }
0x2dd: {  	_ =	swait.ge [sflag:s7], $0x8000  }
0x2de: {  	[sflag:s7] =	ssyncset.done $0x0  }
0x2df: {  	s31 =	rddreg [dreg:$0x11];
	[sflag:s7] =	ssyncadd.s32 $0xFFFF8000  }
0x2e0: {  	[hbm4b:s31+s6] =	stream.strided.scatter [tilespmem:s4], [sflag:$0x3], $0x8000, s8, s6, $0x38;
	[tilespmem:$0x18000] =	vst v63  }
0x2e1: {  	_ =	swait.ge [sflag:s9], $0x8000  }
0x2e2: {  	s1 =	sld [smem:$0x7FD]  }
0x2e3: {  	[sflag:s9] =	ssyncset.done $0x0  }
0x2e4: {  	[sflag:s9] =	ssyncadd.s32 $0xFFFF8000  }
0x2e5: {  	[tilespmem:s4], [sflag:$0x1] =	stream.indirect.gather [hbm4b:s2+s5], $0x20, s1, s5, $0xb8;
	[tilespmem:$0x18000] =	vst v63  }
0x2e6: {  	_ =	swait.ge [sflag:s11], $0x8000  }
0x2e7: {  	[sflag:s11] =	ssyncset.done $0x0  }
0x2e8: {  	s30 =	rddreg [dreg:$0x12];
	[sflag:s11] =	ssyncadd.s32 $0xFFFF8000  }
0x2e9: {  	[hbm4b:s30+s6] =	stream.strided.scatter [tilespmem:s3], [sflag:$0x4], $0x8000, s8, s6, $0x38;
	[tilespmem:$0x18000] =	vst v63  }
0x2ea: {  	_ =	swait.ge [sflag:s10], $0x8000  }
0x2eb: {  	[sflag:s10] =	ssyncset.done $0x0  }
0x2ec: {  	[sflag:s10] =	ssyncadd.s32 $0xFFFF8000  }
0x2ed: {  	[tilespmem:s3], [sflag:$0x2] =	stream.indirect.gather [hbm4b:s2+s5], $0x20, s29, s5, $0xb8;
	[tilespmem:$0x18000] =	vst v63  }
0x2ee: {  	_ =	swait.ge [sflag:s7], $0x8000  }
0x2ef: {  	[sflag:s7] =	ssyncset.done $0x0  }
0x2f0: {  	s31 =	rddreg [dreg:$0x13];
	[sflag:s7] =	ssyncadd.s32 $0xFFFF8000  }
0x2f1: {  	[hbm4b:s31+s6] =	stream.strided.scatter [tilespmem:s4], [sflag:$0x3], $0x8000, s8, s6, $0x38;
	[tilespmem:$0x18000] =	vst v63  }
0x2f2: {  	_ =	swait.ge [sflag:s9], $0x8000  }
0x2f3: {  	[sflag:s9] =	ssyncset.done $0x0  }
0x2f4: {  	[sflag:s9] =	ssyncadd.s32 $0xFFFF8000  }
0x2f5: {  	[tilespmem:s4], [sflag:$0x1] =	stream.indirect.gather [hbm4b:s2+s5], $0x20, s28, s5, $0xb8;
	[tilespmem:$0x18000] =	vst v63  }
0x2f6: {  	_ =	swait.ge [sflag:s11], $0x8000  }
0x2f7: {  	[sflag:s11] =	ssyncset.done $0x0  }
0x2f8: {  	s1 =	rddreg [dreg:$0x14];
	[sflag:s11] =	ssyncadd.s32 $0xFFFF8000  }
0x2f9: {  	[hbm4b:s1+s6] =	stream.strided.scatter [tilespmem:s3], [sflag:$0x4], $0x8000, s8, s6, $0x38;
	[tilespmem:$0x18000] =	vst v63  }
0x2fa: {  	_ =	swait.ge [sflag:s10], $0x8000  }
0x2fb: {  	[sflag:s10] =	ssyncset.done $0x0  }
0x2fc: {  	[sflag:s10] =	ssyncadd.s32 $0xFFFF8000  }
0x2fd: {  	[tilespmem:s3], [sflag:$0x2] =	stream.indirect.gather [hbm4b:s2+s5], $0x20, s26, s5, $0xb8;
	[tilespmem:$0x18000] =	vst v63  }
0x2fe: {  	_ =	swait.ge [sflag:s7], $0x8000  }
0x2ff: {  	[sflag:s7] =	ssyncset.done $0x0  }
0x300: {  	s26 =	rddreg [dreg:$0x15];
	[sflag:s7] =	ssyncadd.s32 $0xFFFF8000  }
0x301: {  	[hbm4b:s26+s6] =	stream.strided.scatter [tilespmem:s4], [sflag:$0x3], $0x8000, s8, s6, $0x38;
	[tilespmem:$0x18000] =	vst v63  }
0x302: {  	_ =	swait.ge [sflag:s9], $0x8000  }
0x303: {  	[sflag:s9] =	ssyncset.done $0x0  }
0x304: {  	[sflag:s9] =	ssyncadd.s32 $0xFFFF8000  }
0x305: {  	[tilespmem:s4], [sflag:$0x1] =	stream.indirect.gather [hbm4b:s2+s5], $0x20, s25, s5, $0xb8;
	[tilespmem:$0x18000] =	vst v63  }
0x306: {  	_ =	swait.ge [sflag:s11], $0x8000  }
0x307: {  	[sflag:s11] =	ssyncset.done $0x0  }
0x308: {  	s28 =	rddreg [dreg:$0x16];
	[sflag:s11] =	ssyncadd.s32 $0xFFFF8000  }
0x309: {  	[hbm4b:s28+s6] =	stream.strided.scatter [tilespmem:s3], [sflag:$0x4], $0x8000, s8, s6, $0x38;
	[tilespmem:$0x18000] =	vst v63  }
0x30a: {  	_ =	swait.ge [sflag:s10], $0x8000  }
0x30b: {  	[sflag:s10] =	ssyncset.done $0x0  }
0x30c: {  	[sflag:s10] =	ssyncadd.s32 $0xFFFF8000  }
0x30d: {  	[tilespmem:s3], [sflag:$0x2] =	stream.indirect.gather [hbm4b:s2+s5], $0x20, s24, s5, $0xb8;
	[tilespmem:$0x18000] =	vst v63  }
0x30e: {  	_ =	swait.ge [sflag:s7], $0x8000  }
0x30f: {  	[sflag:s7] =	ssyncset.done $0x0  }
0x310: {  	s29 =	rddreg [dreg:$0x17];
	[sflag:s7] =	ssyncadd.s32 $0xFFFF8000  }
0x311: {  	[hbm4b:s29+s6] =	stream.strided.scatter [tilespmem:s4], [sflag:$0x3], $0x8000, s8, s6, $0x38;
	[tilespmem:$0x18000] =	vst v63  }
0x312: {  	_ =	swait.ge [sflag:s9], $0x8000  }
0x313: {  	[sflag:s9] =	ssyncset.done $0x0  }
0x314: {  	[sflag:s9] =	ssyncadd.s32 $0xFFFF8000  }
0x315: {  	[tilespmem:s4], [sflag:$0x1] =	stream.indirect.gather [hbm4b:s2+s5], $0x20, s23, s5, $0xb8;
	[tilespmem:$0x18000] =	vst v63  }
0x316: {  	_ =	swait.ge [sflag:s11], $0x8000  }
0x317: {  	[sflag:s11] =	ssyncset.done $0x0  }
0x318: {  	s30 =	rddreg [dreg:$0x18];
	[sflag:s11] =	ssyncadd.s32 $0xFFFF8000  }
0x319: {  	[hbm4b:s30+s6] =	stream.strided.scatter [tilespmem:s3], [sflag:$0x4], $0x8000, s8, s6, $0x38;
	[tilespmem:$0x18000] =	vst v63  }
0x31a: {  	_ =	swait.ge [sflag:s10], $0x8000  }
0x31b: {  	[sflag:s10] =	ssyncset.done $0x0  }
0x31c: {  	[sflag:s10] =	ssyncadd.s32 $0xFFFF8000  }
0x31d: {  	[tilespmem:s3], [sflag:$0x2] =	stream.indirect.gather [hbm4b:s2+s5], $0x20, s22, s5, $0xb8;
	[tilespmem:$0x18000] =	vst v63  }
0x31e: {  	_ =	swait.ge [sflag:s7], $0x8000  }
0x31f: {  	[sflag:s7] =	ssyncset.done $0x0  }
0x320: {  	s31 =	rddreg [dreg:$0x19];
	[sflag:s7] =	ssyncadd.s32 $0xFFFF8000  }
0x321: {  	[hbm4b:s31+s6] =	stream.strided.scatter [tilespmem:s4], [sflag:$0x3], $0x8000, s8, s6, $0x38;
	[tilespmem:$0x18000] =	vst v63  }
0x322: {  	_ =	swait.ge [sflag:s9], $0x8000  }
0x323: {  	[sflag:s9] =	ssyncset.done $0x0  }
0x324: {  	[sflag:s9] =	ssyncadd.s32 $0xFFFF8000  }
0x325: {  	[tilespmem:s4], [sflag:$0x1] =	stream.indirect.gather [hbm4b:s2+s5], $0x20, s21, s5, $0xb8;
	[tilespmem:$0x18000] =	vst v63  }
0x326: {  	_ =	swait.ge [sflag:s11], $0x8000  }
0x327: {  	[sflag:s11] =	ssyncset.done $0x0  }
0x328: {  	s1 =	rddreg [dreg:$0x1a];
	[sflag:s11] =	ssyncadd.s32 $0xFFFF8000  }
0x329: {  	[hbm4b:s1+s6] =	stream.strided.scatter [tilespmem:s3], [sflag:$0x4], $0x8000, s8, s6, $0x38;
	[tilespmem:$0x18000] =	vst v63  }
0x32a: {  	_ =	swait.ge [sflag:s10], $0x8000  }
0x32b: {  	[sflag:s10] =	ssyncset.done $0x0  }
0x32c: {  	[sflag:s10] =	ssyncadd.s32 $0xFFFF8000  }
0x32d: {  	[tilespmem:s3], [sflag:$0x2] =	stream.indirect.gather [hbm4b:s2+s5], $0x20, s20, s5, $0xb8;
	[tilespmem:$0x18000] =	vst v63  }
0x32e: {  	_ =	swait.ge [sflag:s7], $0x8000  }
0x32f: {  	[sflag:s7] =	ssyncset.done $0x0  }
0x330: {  	s20 =	rddreg [dreg:$0x1b];
	[sflag:s7] =	ssyncadd.s32 $0xFFFF8000  }
0x331: {  	[hbm4b:s20+s6] =	stream.strided.scatter [tilespmem:s4], [sflag:$0x3], $0x8000, s8, s6, $0x38;
	[tilespmem:$0x18000] =	vst v63  }
0x332: {  	_ =	swait.ge [sflag:s9], $0x8000  }
0x333: {  	[sflag:s9] =	ssyncset.done $0x0  }
0x334: {  	[sflag:s9] =	ssyncadd.s32 $0xFFFF8000  }
0x335: {  	[tilespmem:s4], [sflag:$0x1] =	stream.indirect.gather [hbm4b:s2+s5], $0x20, s19, s5, $0xb8;
	[tilespmem:$0x18000] =	vst v63  }
0x336: {  	_ =	swait.ge [sflag:s11], $0x8000  }
0x337: {  	[sflag:s11] =	ssyncset.done $0x0  }
0x338: {  	s21 =	rddreg [dreg:$0x1c];
	[sflag:s11] =	ssyncadd.s32 $0xFFFF8000  }
0x339: {  	[hbm4b:s21+s6] =	stream.strided.scatter [tilespmem:s3], [sflag:$0x4], $0x8000, s8, s6, $0x38;
	[tilespmem:$0x18000] =	vst v63  }
0x33a: {  	_ =	swait.ge [sflag:s10], $0x8000  }
0x33b: {  	[sflag:s10] =	ssyncset.done $0x0  }
0x33c: {  	[sflag:s10] =	ssyncadd.s32 $0xFFFF8000  }
0x33d: {  	[tilespmem:s3], [sflag:$0x2] =	stream.indirect.gather [hbm4b:s2+s5], $0x20, s18, s5, $0xb8;
	[tilespmem:$0x18000] =	vst v63  }
0x33e: {  	_ =	swait.ge [sflag:s7], $0x8000  }
0x33f: {  	[sflag:s7] =	ssyncset.done $0x0  }
0x340: {  	s22 =	rddreg [dreg:$0x1d];
	[sflag:s7] =	ssyncadd.s32 $0xFFFF8000  }
0x341: {  	[hbm4b:s22+s6] =	stream.strided.scatter [tilespmem:s4], [sflag:$0x3], $0x8000, s8, s6, $0x38;
	[tilespmem:$0x18000] =	vst v63  }
0x342: {  	_ =	swait.ge [sflag:s9], $0x8000  }
0x343: {  	[sflag:s9] =	ssyncset.done $0x0  }
0x344: {  	[sflag:s9] =	ssyncadd.s32 $0xFFFF8000  }
0x345: {  	[tilespmem:s4], [sflag:$0x1] =	stream.indirect.gather [hbm4b:s2+s5], $0x20, s17, s5, $0xb8;
	[tilespmem:$0x18000] =	vst v63  }
0x346: {  	_ =	swait.ge [sflag:s11], $0x8000  }
0x347: {  	[sflag:s11] =	ssyncset.done $0x0  }
0x348: {  	s23 =	rddreg [dreg:$0x1e];
	[sflag:s11] =	ssyncadd.s32 $0xFFFF8000  }
0x349: {  	[hbm4b:s23+s6] =	stream.strided.scatter [tilespmem:s3], [sflag:$0x4], $0x8000, s8, s6, $0x38;
	[tilespmem:$0x18000] =	vst v63  }
0x34a: {  	_ =	swait.ge [sflag:s10], $0x8000  }
0x34b: {  	[sflag:s10] =	ssyncset.done $0x0  }
0x34c: {  	[sflag:s10] =	ssyncadd.s32 $0xFFFF8000  }
0x34d: {  	[tilespmem:s3], [sflag:$0x2] =	stream.indirect.gather [hbm4b:s2+s5], $0x20, s16, s5, $0xb8;
	[tilespmem:$0x18000] =	vst v63  }
0x34e: {  	_ =	swait.ge [sflag:s7], $0x8000  }
0x34f: {  	[sflag:s7] =	ssyncset.done $0x0  }
0x350: {  	s24 =	rddreg [dreg:$0x1f];
	[sflag:s7] =	ssyncadd.s32 $0xFFFF8000  }
0x351: {  	[hbm4b:s24+s6] =	stream.strided.scatter [tilespmem:s4], [sflag:$0x3], $0x8000, s8, s6, $0x38;
	[tilespmem:$0x18000] =	vst v63  }
0x352: {  	_ =	swait.ge [sflag:s9], $0x8000  }
0x353: {  	[sflag:s9] =	ssyncset.done $0x0  }
0x354: {  	[sflag:s9] =	ssyncadd.s32 $0xFFFF8000  }
0x355: {  	[tilespmem:s4], [sflag:$0x1] =	stream.indirect.gather [hbm4b:s2+s5], $0x20, s15, s5, $0xb8;
	[tilespmem:$0x18000] =	vst v63  }
0x356: {  	_ =	swait.ge [sflag:s11], $0x8000  }
0x357: {  	s25 =	sld [smem:$0x7EC]  }
0x358: {  	[sflag:s11] =	ssyncset.done $0x0  }
0x359: {  	[sflag:s11] =	ssyncadd.s32 $0xFFFF8000  }
0x35a: {  	[hbm4b:s25+s6] =	stream.strided.scatter [tilespmem:s3], [sflag:$0x4], $0x8000, s8, s6, $0x38;
	[tilespmem:$0x18000] =	vst v63  }
0x35b: {  	_ =	swait.ge [sflag:s10], $0x8000  }
0x35c: {  	[sflag:s10] =	ssyncset.done $0x0  }
0x35d: {  	[sflag:s10] =	ssyncadd.s32 $0xFFFF8000  }
0x35e: {  	[tilespmem:s3], [sflag:$0x2] =	stream.indirect.gather [hbm4b:s2+s5], $0x20, s14, s5, $0xb8;
	[tilespmem:$0x18000] =	vst v63  }
0x35f: {  	_ =	swait.ge [sflag:s7], $0x8000  }
0x360: {  	s26 =	sld [smem:$0x7ED]  }
0x361: {  	[sflag:s7] =	ssyncset.done $0x0  }
0x362: {  	[sflag:s7] =	ssyncadd.s32 $0xFFFF8000  }
0x363: {  	[hbm4b:s26+s6] =	stream.strided.scatter [tilespmem:s4], [sflag:$0x3], $0x8000, s8, s6, $0x38;
	[tilespmem:$0x18000] =	vst v63  }
0x364: {  	_ =	swait.ge [sflag:s9], $0x8000  }
0x365: {  	[sflag:s9] =	ssyncset.done $0x0  }
0x366: {  	[sflag:s9] =	ssyncadd.s32 $0xFFFF8000  }
0x367: {  	[tilespmem:s4], [sflag:$0x1] =	stream.indirect.gather [hbm4b:s2+s5], $0x20, s13, s5, $0xb8;
	[tilespmem:$0x18000] =	vst v63  }
0x368: {  	_ =	swait.ge [sflag:s11], $0x8000  }
0x369: {  	s28 =	sld [smem:$0x7EE]  }
0x36a: {  	[sflag:s11] =	ssyncset.done $0x0  }
0x36b: {  	[sflag:s11] =	ssyncadd.s32 $0xFFFF8000  }
0x36c: {  	[hbm4b:s28+s6] =	stream.strided.scatter [tilespmem:s3], [sflag:$0x4], $0x8000, s8, s6, $0x38;
	[tilespmem:$0x18000] =	vst v63  }
0x36d: {  	_ =	swait.ge [sflag:s10], $0x8000  }
0x36e: {  	[sflag:s10] =	ssyncset.done $0x0  }
0x36f: {  	[sflag:s10] =	ssyncadd.s32 $0xFFFF8000  }
0x370: {  	[tilespmem:s3], [sflag:$0x2] =	stream.indirect.gather [hbm4b:s2+s5], $0x20, s12, s5, $0xb8;
	[tilespmem:$0x18000] =	vst v63  }
0x371: {  	_ =	swait.ge [sflag:s7], $0x8000  }
0x372: {  	s29 =	sld [smem:$0x7EF]  }
0x373: {  	[sflag:s7] =	ssyncset.done $0x0  }
0x374: {  	[sflag:s7] =	ssyncadd.s32 $0xFFFF8000  }
0x375: {  	[hbm4b:s29+s6] =	stream.strided.scatter [tilespmem:s4], [sflag:$0x3], $0x8000, s8, s6, $0x38;
	[tilespmem:$0x18000] =	vst v63  }
0x376: {  	_ =	swait.ge [sflag:s11], $0x8000  }
0x377: {  	s30 =	sld [smem:$0x7F0]  }
0x378: {  	[sflag:s11] =	ssyncset.done $0x0  }
0x379: {  	[sflag:s11] =	ssyncadd.s32 $0xFFFF8000  }
0x37a: {  	[hbm4b:s30+s6] =	stream.strided.scatter [tilespmem:s3], [sflag:$0x4], $0x8000, s8, s6, $0x38;
	[tilespmem:$0x18000] =	vst v63  }
0x37b: {  	_ =	swait.ge [sflag:s9], $0x8000  }
0x37c: {  	[sflag:s9] =	ssyncset.done $0x0  }
0x37d: {  	[sflag:s9] =	ssyncadd.s32 $0xFFFF8000  }
0x37e: {  	_ =	swait.ge [sflag:s10], $0x8000  }
0x37f: {  	[sflag:s10] =	ssyncset.done $0x0  }
0x380: {  	[sflag:s10] =	ssyncadd.s32 $0xFFFF8000  }
0x381: {  	_ =	sfence.sel $0x180000  }
0x382: {  	[bflag:$0x0] =	sbarrier.arrive $0xFFFF  }
0x383: {  	_ =	strace $0x90000047  }
0x384: {  	s31 =	stileid.u32;
	[bflag:$0x2] =	sbarrier.arrive $0xFFFF  }
0x385: {  	p0 =	sne.s32 s31, $0x0;
	s0 =	rddreg [dreg:$0x3]  }
0x386: {  	s0 =	sadd.s32 @!p0 $0x100000, s0  }
0x387: {  	[sflag:s0] =	ssyncadd.tile.s32 @!p0 $0x1;
	_ =	shalt  }
.Lfunc_end2:
_tile_overlayer_lowered:
.L_overlay_start_2:
0x388: {  	(tag) =	ssettag $0x2  }
0x389: {  	s0 =	rddreg [dreg:$0x0];
	s2 =	stileid.u32  }
0x38a: {  	s1 =	rddreg [dreg:$0x1];
	p0 =	sne.s32 s2, $0x0  }
0x38b: {  	s3 =	rddreg [dreg:$0x2];
	[bflag:$0x3] =	sbarrier.arrive $0xFFFF;
	s2 =	simm.s32 @!p0 $0x1C05  }
0x38c: {  	[timem:s3], [sflag:s2] =	dma.local @!p0 [hbm:s0], s1  }
0x38d: {  	s0 =	simm.s32 @!p0 $0x5  }
0x38e: {  	_ =	swait.ge @!p0 [sflag:s0], s1  }
0x38f: {  	s1 =	ssub.s32 @!p0 $0x0, s1;
	[sflag:s0] =	ssyncset.done @!p0 $0x0  }
0x390: {  	[sflag:s0] =	ssyncadd.s32 @!p0 s1  }
0x391: {  	[bflag:$0x3] =	sbarrier.arrive $0xFFFF  }
0x392: {  	_ =	shalt  }

// kernel: sparse-core-data-format-call.cloned.1.call-start
scs
called_computation_lowered:
.L_overlay_start_0:
0x0: {  	s2 =	sld [smem:$0x3FD9]  }
0x1: {  	s3 =	sld [smem:$0x3FFE];
	_ =	sdelay $0x1  }
0x2: {  	s1 =	srdreg.scid  }
0x3: {  	s0 =	sand.u32 $0x1, s1  }
0x4: {  	s18 =	sshll.u32 s0, $0xA;
	s2 =	sadd.s32 s3, s2  }
0x5: {  	s2 =	sadd.s32 s2, s18  }
0x6: {  	[smem:$0x3FC6] =	sst s2  }
0x7: {  	_ = 	snop  }
0x8: {  	s2 =	sld [smem:$0x3FD0];
	(tm) =	ssettm $0x1  }
0x9: {  	s19 =	sld [smem:$0x3FFB];
	_ =	sdelay $0x3  }
0xa: {  	_ =	strace s19  }
0xb: {  	s3 =	sld [smem:$0x3FFC];
	_ =	sdelay $0x3  }
0xc: {  	_ =	strace s3  }
0xd: {  	s3 =	sld [smem:$0x3FFD];
	_ =	sdelay $0x3  }
0xe: {  	_ =	strace s3  }
0xf: {  	_ =	strace $0x8FFFFFFF  }
0x10: {  	s20 =	sld [smem:$0x3FDB];
	_ =	sdelay $0x1  }
0x11: {  	s4 =	simm.s32 $_scs_section_size  }
0x12: {  	s5 =	simm.s32 $_size__tile_overlayer_lowered;
	s6 =	simm.s32 $_tile_overlayer_lowered  }
0x13: {  	s23 =	simm.s32 $0x1BFF;
	s22 =	sshll.u32 s6, $0x1;
	s3 =	sadd.s32 s4, s20  }
0x14: {  	s7 =	simm.s32 $0x0;
	s21 =	sshll.u32 s5, $0x1;
	s5 =	sadd.s32 s22, s3  }
0x15: {  	[timem:s7], [sflag:s23] =	dma.local [hbm:s5], s21  }
0x16: {  	_ =	swait.ge [sflag:s23], s21  }
0x17: {  	s4 =	ssub.s32 $0x0, s21;
	[sflag:s23] =	ssyncset.done $0x0  }
0x18: {  	[sflag:s23] =	ssyncadd.s32 s4;
	_ =	sdelay $0x1  }
0x19: {  	s24 =	simm.s32 $0x1B8B  }
0x1a: {  	_ =	swait.ge [sflag:s24], $0x1  }
0x1b: {  	[sflag:s24] =	ssyncset.done $0x0  }
0x1c: {  	s26 =	simm.s32 $0x1B8E;
	s25 =	sld [smem:$0x3FFE];
	[sflag:s24] =	ssyncadd.s32 $0xFFFFFFFF  }
0x1d: {  	s27 =	simm.s32 $execute0_lowered;
	[smem:$0x3FD2] =	sst s26  }
0x1e: {  	s5 =	sshll.u32 s27, $0x1;
	_ =	strace $0x80000049;
	[dreg:$0x1] =	wrdreg $0xFFFFFFFF  }
0x1f: {  	s28 =	simm.s32 $_size_execute0_lowered;
	s3 =	sadd.s32 s3, s5;
	[dreg:$0x0] =	wrdreg $0x0  }
0x20: {  	s5 =	sshll.u32 s28, $0x1;
	[dreg:$0x2] =	wrdreg s3  }
0x21: {  	[dreg:$0x3] =	wrdreg s5  }
0x22: {  	[dreg:$0x4] =	wrdreg $0xC0  }
0x23: {  	_ =	task [dreg:s7], $0x5FFFF  }
0x24: {  	[dreg:$0x1] =	wrdreg $0xFFFFFFFF  }
0x25: {  	[dreg:$0x0] =	wrdreg $0x60  }
0x26: {  	[dreg:$0x2] =	wrdreg s25  }
0x27: {  	[dreg:$0x3] =	wrdreg s2  }
0x28: {  	[dreg:$0x4] =	wrdreg $0x9  }
0x29: {  	_ =	task.clear_ibuf [dreg:s7], $0x5FFFF;
	_ =	strace $0x90000049  }
0x2a: {  	s29 =	simm.s32 $0x9;
	_ =	strace $0x8000004B  }
0x2b: {  	_ =	swait.ge [sflag:s29], $0x1  }
0x2c: {  	[sflag:s29] =	ssyncadd.s32 $0xFFFFFFFF  }
0x2d: {  	_ =	strace $0x9000004B  }
0x2e: {  	_ =	sfence  }
0x2f: {  	s30 =	sld [smem:$0x0];
	_ =	sdelay $0x2  }
0x30: {  	s31 =	sshll.u32 s1, $0xD;
	s1 =	sshrl.u32 s1, $0x2  }
0x31: {  	s3 =	sand.u32 $0x4000, s31;
	s1 =	sadd.s32 s1, s30  }
0x32: {  	s0 =	sor.u32 s3, s0;
	s1 =	sshll.u32 s1, $0x11  }
0x33: {  	s0 =	sor.u32 s1, s0  }
0x34: {  	s0 =	sadd.s32 $0x8F2B, s0  }
0x35: {  	[sflag:s0] =	ssyncadd.remote.s32 $0x1  }
0x36: {  	_ =	sfence.sel $0xFFFF  }
0x37: {  	[dreg:$0x0] =	wrdreg $0xFFFFFFFF;
	(pc) =	sbr.abs _section_cstart, $3  }
0x38: {  	[dreg:$0x1] =	wrdreg $0xFFFFFFFF  }
0x39: {  	_ =	task.clear_ibuf [dreg:s7], $0x2FFFF;
	_ =	strace $0x9FFFFFFF  }
0x3a: {  	(tm) =	ssettm $0x7FFFFFFF  }
0x3b: {  	_ =	shalt  }
tec
execute0_lowered:
.L_overlay_start_1:
0x0: {  	(tag) =	ssettag $0x1  }
0x1: {  	s0 =	srdreg.scid  }
0x2: {  	s1 =	sshll.u32 s0, $0x4  }
0x3: {  	s4 =	rddreg [dreg:$0x0];
	s0 =	stileid.u32;
	s1 =	sand.u32 $0x10, s1  }
0x4: {  	s2 =	rddreg [dreg:$0x1];
	s7 =	simm.s32 $0x1;
	s1 =	sor.u32 s0, s1  }
0x5: {  	s8 =	simm.s32 $0x2;
	s11 =	simm.s32 $0x0;
	s3 =	sshll.u32 s1, $0x7  }
0x6: {  	s10 =	simm.s32 $0x0;
	s4 =	sadd.s32 $0x800, s4;
	s6 =	ssub.s32 $0x100000, s3  }
.Ltmp0:
0x7: {  	s1 =	rddreg [dreg:$0x2];
	s5 =	sand.u32 $0xF80, s6;
	(pc) =	sbr.rel .LBB1_1-.Ltmp0, $4  }
0x8: {  	_ =	strace $0x8000004A;
	s9 =	smov.u32 s3;
	p0 =	sne.s32 s5, $0x0  }
0x9: {  	s6 =	sshrl.u32 s6, $0xC;
	s5 =	simm.s32 $0x1;
	s7 =	simm.s32 @!p0 $0x0  }
0xa: {  	[sflag:s5] =	ssyncpa.u1 $0x0;
	p0 =	por $0x0, $0x0;
	s6 =	sadd.s32 s7, s6  }
0xb: {  	[sflag:s8] =	ssyncpa.u1 $0x0;
	s8 =	simm.s32 $0x800000;
	s7 =	sadd.s32 $0x1, s6  }
.LBB1_4:
0xc: {  	s13 =	sshll.u32 s11, $0x3  }
0xd: {  	s15 =	sand.u32 $0x78, s11;
	s13 =	sand.u32 $0xFFC00, s13  }
0xe: {  	s30 =	sand.u32 $0x3E0000, s11;
	s31 =	sand.u32 $0x7, s11;
	s13 =	sor.u32 s15, s13  }
0xf: {  	s11 =	sshll.u32 s31, $0x12;
	s15 =	sadd.s32 s2, s30;
	s13 =	sshrl.u32 s13, $0x3  }
0x10: {  	[tilespmem:s14+$0x0 ss:$0x81] =	vst.msk $0xffff, v0;
	s11 =	sor.u32 $0x400, s11;
	s13 =	sadd.s32 s13, s15  }
0x11: {  	[hbm4b:s13+s11] =	stream.strided.scatter [tilespmem:s12], [sflag:$0x2], $0x1000, s8, s11, $0x20;
	[tilespmem:$0x4040] =	vst v63  }
.LBB1_5:
0x12: {  	s13 =	sadd.s32 $0x1000, s9  }
0x13: {  	p2 =	sgt.s32 s13, $0xFFFFF  }
0x14: {  	s13 =	smov.u32 @p2 s3;
	p2 =	sne.s32 s10, s7  }
.Ltmp1:
0x15: {  	p1 =	slt.u32 s10, $0x2;
	(pc) =	sbr.rel @!p2 .LBB1_6-.Ltmp1, $4  }
0x16: {  	s12 =	simm.s32 @!p1 $0x2  }
0x17: {  	s14 =	sadd.s32 $0x1, s10;
	_ =	swait.ge @!p1 [sflag:s12], $0x1000  }
0x18: {  	s11 =	smov.u32 s9;
	p0 =	por !p0, !p0;
	[sflag:s12] =	ssyncset.done @!p1 $0x0  }
0x19: {  	s10 =	smov.u32 s14;
	s9 =	smov.u32 s13;
	[sflag:s12] =	ssyncadd.s32 @!p1 $0xFFFFF000  }
.LBB1_1:
0x1a: {  	p1 =	sge.u32 s10, s6  }
0x1b: {  	s31 =	sadd.s32 $0xFFFFFFFF, s10;
	s12 =	sxor.u32 @!p1 $0xFFFFFFFF, s10;
	s13 =	sshll.u32 @!p1 s9, $0x4  }
0x1c: {  	s14 =	simm.s32 @!p1 $0x20;
	s12 =	sshll.u32 @!p1 s12, $0xC;
	s13 =	sand.u32 @!p1 $0xFFFFF0, s13  }
0x1d: {  	s15 =	simm.s32 @!p1 $0x80;
	s12 =	sand.u32 @!p1 $0x1000, s12;
	s13 =	sadd.s32 @!p1 s4, s13  }
0x1e: {  	[tilespmem:s12], [sflag:$0x1] =	stream.strided.gather @!p1 [hbm4b:s13+s14], $0x1000, s15, s14, $0x38;
	[tilespmem:$0x4040] =	vst v63  }
0x1f: {  	p1 =	sge.u32 s31, s6  }
.Ltmp2:
0x20: {  	_ = 	snop;
	(pc) =	sbr.rel @p1 .LBB1_5-.Ltmp2, $1  }
0x21: {  	_ =	sdelay $0x3  }
0x22: {  	s12 =	simm.s32 $0x1  }
0x23: {  	_ =	swait.ge [sflag:s5], $0x1000;
	s12 =	simm.s32 @!p0 $0x0  }
0x24: {  	[sflag:s5] =	ssyncset.done $0x0;
	s13 =	sshll.u32 s12, $0xC  }
0x25: {  	[sflag:s5] =	ssyncadd.s32 $0xFFFFF000;
	s16 =	sor.u32 $0x10, s13  }
0x26: {  	s12 =	smul.u32 $0x4080, s12;
	v1 =	vld [tilespmem:s16+$0x0]  }
0x27: {  	s30 =	sand.u32 $0x1, s10;
	v0 =	vld [tilespmem:s16+$0xFFFFFFF0]  }
0x28: {  	s14 =	smul.u32 $0x4080, s30;
	s12 =	sshrl.u32 s12, $0x2  }
0x29: {  	s13 =	sor.u32 $0x2000, s12  }
0x2a: {  	s31 =	sshrl.u32 s14, $0x2;
	s14 =	sadd.s32 $0x0, s13  }
0x2b: {  	s15 =	simm.s32 $0x4;
	s16 =	sadd.s32 $0x20, s16;
	s12 =	sor.u32 $0x2000, s31;
	[tilespmem:s14+$0x810 ss:$0x81] =	vst.msk $0xffff, v1  }
.LBB1_3:
0x2c: {  	v1 =	vld [tilespmem:s16+$0x0];
	p1 =	sne.s32 s15, $0x1FC;
	[tilespmem:s14+$0x0 ss:$0x81] =	vst.msk $0xffff, v0;
	s14 =	smov.u32 s15;
	s15 =	sadd.s32 $0x4, s15  }
.Ltmp3:
0x2d: {  	v0 =	vld [tilespmem:s16+$0xFFFFFFF0];
	(pc) =	sbr.rel @p1 .LBB1_3-.Ltmp3, $4  }
0x2e: {  	_ = 	snop  }
0x2f: {  	s14 =	sshra.s32 s14, $0x2  }
0x30: {  	s14 =	sadd.s32 s14, s13  }
0x31: {  	s16 =	sadd.s32 $0x20, s16;
	[tilespmem:s14+$0x810 ss:$0x81] =	vst.msk $0xffff, v1  }
.Ltmp4:
0x32: {  	_ = 	snop;
	(pc) =	sbr.rel .LBB1_4-.Ltmp4, $1  }
0x33: {  	_ =	sdelay $0x3  }
.LBB1_6:
0x34: {  	_ =	sfence.sel $0x180000  }
0x35: {  	s2 =	simm.s32 $0x1;
	[bflag:$0x0] =	sbarrier.arrive $0xFFFF  }
0x36: {  	s31 =	simm.s32 $0x2;
	[sflag:s2] =	ssyncpa.u1 $0x1  }
0x37: {  	[sflag:s31] =	ssyncpa.u1 $0x1  }
0x38: {  	p0 =	sne.s32 s0, $0x0;
	_ =	strace $0x9000004A  }
0x39: {  	s0 =	sadd.s32 @!p0 $0x100000, s1;
	[bflag:$0x2] =	sbarrier.arrive $0xFFFF  }
0x3a: {  	[sflag:s0] =	ssyncadd.tile.s32 @!p0 $0x1;
	_ =	shalt  }
.Lfunc_end1:
_tile_overlayer_lowered:
.L_overlay_start_2:
0x3b: {  	(tag) =	ssettag $0x2  }
0x3c: {  	s0 =	rddreg [dreg:$0x0];
	s2 =	stileid.u32  }
0x3d: {  	s1 =	rddreg [dreg:$0x1];
	p0 =	sne.s32 s2, $0x0  }
0x3e: {  	s3 =	rddreg [dreg:$0x2];
	[bflag:$0x3] =	sbarrier.arrive $0xFFFF;
	s2 =	simm.s32 @!p0 $0x1C01  }
0x3f: {  	[timem:s3], [sflag:s2] =	dma.local @!p0 [hbm:s0], s1  }
0x40: {  	s0 =	simm.s32 @!p0 $0x1  }
0x41: {  	_ =	swait.ge @!p0 [sflag:s0], s1  }
0x42: {  	s1 =	ssub.s32 @!p0 $0x0, s1;
	[sflag:s0] =	ssyncset.done @!p0 $0x0  }
0x43: {  	[sflag:s0] =	ssyncadd.s32 @!p0 s1  }
0x44: {  	[bflag:$0x3] =	sbarrier.arrive $0xFFFF  }
0x45: {  	_ =	shalt  }

</sc_bundles>
